<compile_context>
chip_gen: v7x
topology: tpu7x:2x2x1
jax: 0.10.2.dev20260603
libtpu: 0.0.44.dev20260713+nightly
codegen_flags: <defaults>
</compile_context>

<pallas_src>
import jax
import jax.numpy as jnp
from jax import lax
from jax.experimental import pallas as pl
from jax.experimental.pallas import tpu as pltpu, tpu_sc as plsc
import functools

NUM_CORES = 2
NUM_SUBCORES = 16
NW = NUM_CORES * NUM_SUBCORES
BATCH = 16384
D = 128
Q = D // 4
B_PER_W = BATCH // NW
CH = 128
NCH = B_PER_W // CH

_mesh = plsc.VectorSubcoreMesh(core_axis_name="c", subcore_axis_name="s")


@functools.partial(
    pl.kernel,
    mesh=_mesh,
    out_type=jax.ShapeDtypeStruct((BATCH,), jnp.float32),
    scratch_types=[
        pltpu.VMEM((B_PER_W,), jnp.int32),
        pltpu.VMEM((B_PER_W,), jnp.int32),
        pltpu.VMEM((B_PER_W,), jnp.int32),
        pltpu.VMEM((2, CH, D), jnp.float32),
        pltpu.VMEM((2, CH, D), jnp.float32),
        pltpu.VMEM((2, CH, D), jnp.float32),
        pltpu.VMEM((CH, 32), jnp.float32),
        pltpu.VMEM((2, CH), jnp.float32),
        pltpu.SemaphoreType.DMA,
        pltpu.SemaphoreType.DMA,
        pltpu.SemaphoreType.DMA,
        pltpu.SemaphoreType.DMA,
    ],
)
def _quate_sc(head_hbm, rel_hbm, tail_hbm, ent_hbm, relemb_hbm, out_hbm,
              idx_h, idx_r, idx_t, h_buf, r_buf, t_buf, pad,
              score_buf, sem0, sem1, osem0, osem1):
    wid = lax.axis_index("s") * NUM_CORES + lax.axis_index("c")
    ibase = wid * B_PER_W
    REST = B_PER_W - CH
    pltpu.async_copy(head_hbm.at[pl.ds(ibase, CH)], idx_h.at[pl.ds(0, CH)], sem0)
    pltpu.async_copy(rel_hbm.at[pl.ds(ibase, CH)], idx_r.at[pl.ds(0, CH)], sem0)
    pltpu.async_copy(tail_hbm.at[pl.ds(ibase, CH)], idx_t.at[pl.ds(0, CH)], sem0)
    pltpu.make_async_copy(head_hbm.at[pl.ds(ibase, CH)], idx_h.at[pl.ds(0, CH)], sem0).wait()
    pltpu.make_async_copy(rel_hbm.at[pl.ds(ibase, CH)], idx_r.at[pl.ds(0, CH)], sem0).wait()
    pltpu.make_async_copy(tail_hbm.at[pl.ds(ibase, CH)], idx_t.at[pl.ds(0, CH)], sem0).wait()

    def issue(j, slot, sem):
        sl = pl.ds(j * CH, CH)
        pltpu.async_copy(ent_hbm.at[idx_h.at[sl]], h_buf.at[slot], sem)
        pltpu.async_copy(relemb_hbm.at[idx_r.at[sl]], r_buf.at[slot], sem)
        pltpu.async_copy(ent_hbm.at[idx_t.at[sl]], t_buf.at[slot], sem)

    def drain(j, slot, sem):
        sl = pl.ds(j * CH, CH)
        pltpu.make_async_copy(ent_hbm.at[idx_h.at[sl]], h_buf.at[slot], sem).wait()
        pltpu.make_async_copy(relemb_hbm.at[idx_r.at[sl]], r_buf.at[slot], sem).wait()
        pltpu.make_async_copy(ent_hbm.at[idx_t.at[sl]], t_buf.at[slot], sem).wait()

    issue(0, 0, sem0)
    pltpu.async_copy(head_hbm.at[pl.ds(ibase + CH, REST)], idx_h.at[pl.ds(CH, REST)], sem1)
    pltpu.async_copy(rel_hbm.at[pl.ds(ibase + CH, REST)], idx_r.at[pl.ds(CH, REST)], sem1)
    pltpu.async_copy(tail_hbm.at[pl.ds(ibase + CH, REST)], idx_t.at[pl.ds(CH, REST)], sem1)
    pltpu.make_async_copy(head_hbm.at[pl.ds(ibase + CH, REST)], idx_h.at[pl.ds(CH, REST)], sem1).wait()
    pltpu.make_async_copy(rel_hbm.at[pl.ds(ibase + CH, REST)], idx_r.at[pl.ds(CH, REST)], sem1).wait()
    pltpu.make_async_copy(tail_hbm.at[pl.ds(ibase + CH, REST)], idx_t.at[pl.ds(CH, REST)], sem1).wait()

    def out_slice(j):
        return out_hbm.at[pl.ds(wid * B_PER_W + j * CH, CH)]

    def do_chunk(j, _):
        par = j % 2

        @pl.when(par == 0)
        def _():
            drain(j, 0, sem0)

        @pl.when(par == 1)
        def _():
            drain(j, 1, sem1)

        @pl.when((par == 0) & (j + 1 < NCH))
        def _():
            issue(j + 1, 1, sem1)

        @pl.when((par == 1) & (j + 1 < NCH))
        def _():
            issue(j + 1, 0, sem0)

        @pl.when((par == 0) & (j >= 2))
        def _():
            pltpu.make_async_copy(score_buf.at[0], out_slice(j - 2), osem0).wait()

        @pl.when((par == 1) & (j >= 2))
        def _():
            pltpu.make_async_copy(score_buf.at[1], out_slice(j - 2), osem1).wait()

        lane = lax.iota(jnp.int32, 16)
        zeros16 = jnp.zeros((16,), jnp.float32)
        for m in range(CH // 16):
            score_buf[par, pl.ds(m * 16, 16)] = zeros16

        @plsc.parallel_loop(0, CH, 1, unroll=2)
        def do_row(r):
            row = (r % 8) * 16 + r // 8
            acc = jnp.zeros((16,), jnp.float32)
            for v in range(2):
                hi = h_buf[par, row, pl.ds(0 * Q + v * 16, 16)]
                hj = h_buf[par, row, pl.ds(1 * Q + v * 16, 16)]
                hk = h_buf[par, row, pl.ds(2 * Q + v * 16, 16)]
                hl = h_buf[par, row, pl.ds(3 * Q + v * 16, 16)]
                ri = r_buf[par, row, pl.ds(0 * Q + v * 16, 16)]
                rj = r_buf[par, row, pl.ds(1 * Q + v * 16, 16)]
                rk = r_buf[par, row, pl.ds(2 * Q + v * 16, 16)]
                rl = r_buf[par, row, pl.ds(3 * Q + v * 16, 16)]
                ti = t_buf[par, row, pl.ds(0 * Q + v * 16, 16)]
                tj = t_buf[par, row, pl.ds(1 * Q + v * 16, 16)]
                tk = t_buf[par, row, pl.ds(2 * Q + v * 16, 16)]
                tl = t_buf[par, row, pl.ds(3 * Q + v * 16, 16)]
                ca = ri * ti + rj * tj + rk * tk + rl * tl
                cb = ri * tj - rj * ti + rk * tl - rl * tk
                cc = ri * tk - rj * tl - rk * ti + rl * tj
                cd = ri * tl + rj * tk - rk * tj - rl * ti
                acc = acc + hi * ca + hj * cb + hk * cc + hl * cd
            pad[r, pl.ds(0, 16)] = acc
            acc2 = acc + pad[r, pl.ds(8, 16)]
            s = acc2[0]
            for c in range(1, 8):
                s = s + acc2[c]
            plsc.addupdate(score_buf.at[par, pl.ds((r % 8) * 16, 16)],
                           jnp.where(lane == r // 8, s, 0.0))

        @pl.when(par == 0)
        def _():
            pltpu.async_copy(score_buf.at[0], out_slice(j), osem0)

        @pl.when(par == 1)
        def _():
            pltpu.async_copy(score_buf.at[1], out_slice(j), osem1)

        return 0

    lax.fori_loop(0, NCH, do_chunk, 0)
    pltpu.make_async_copy(score_buf.at[0], out_slice(NCH - 2), osem0).wait()
    pltpu.make_async_copy(score_buf.at[1], out_slice(NCH - 1), osem1).wait()


def kernel(head, relation, tail, entity_emb, relation_emb):
    return _quate_sc(head.astype(jnp.int32), relation.astype(jnp.int32),
                     tail.astype(jnp.int32), entity_emb, relation_emb)

# --- scband reference (transcript-rebuilt; emitter-appended) ---
"""Pipeline reference for scband-quat-e-15006615733806 (READ-ONLY COPY).

The authoritative reference and input builder live on the scoring server;
editing this copy changes nothing except your own understanding.
"""

import jax, jax.numpy as jnp
import numpy as np

NUM_ENTITIES = 100000
NUM_RELATIONS = 1000
EMBEDDING_DIM = 128
BATCH = 16384


def setup_inputs(seed: int = 0) -> dict:
    key = jax.random.key(seed)
    k1, k2, k3, k4, k5 = jax.random.split(key, 5)
    head = jax.random.randint(k1, (BATCH,), 0, NUM_ENTITIES, dtype=jnp.int64 if jax.config.jax_enable_x64 else jnp.int32)
    relation = jax.random.randint(k2, (BATCH,), 0, NUM_RELATIONS, dtype=jnp.int64 if jax.config.jax_enable_x64 else jnp.int32)
    tail = jax.random.randint(k3, (BATCH,), 0, NUM_ENTITIES, dtype=jnp.int64 if jax.config.jax_enable_x64 else jnp.int32)
    entity_emb = jax.random.uniform(k4, (NUM_ENTITIES, EMBEDDING_DIM), dtype=jnp.float32, minval=-0.1, maxval=0.1)
    relation_emb = jax.random.uniform(k5, (NUM_RELATIONS, EMBEDDING_DIM), dtype=jnp.float32, minval=-0.1, maxval=0.1)
    return {"head": head, "relation": relation, "tail": tail, "entity_emb": entity_emb, "relation_emb": relation_emb}


def _quaternion_mul(a, b):
    a_i, a_j, a_k, a_l = jnp.split(a, 4, axis=-1)
    b_i, b_j, b_k, b_l = jnp.split(b, 4, axis=-1)
    o_i = a_i * b_i - a_j * b_j - a_k * b_k - a_l * b_l
    o_j = a_i * b_j + a_j * b_i + a_k * b_l - a_l * b_k
    o_k = a_i * b_k - a_j * b_l + a_k * b_i + a_l * b_j
    o_l = a_i * b_l + a_j * b_k - a_k * b_j + a_l * b_i
    return jnp.concatenate([o_i, o_j, o_k, o_l], axis=-1)


def reference(head, relation, tail, entity_emb, relation_emb):
    h = jnp.take(entity_emb, head, axis=0)
    r = jnp.take(relation_emb, relation, axis=0)
    t = jnp.take(entity_emb, tail, axis=0)
    hr = _quaternion_mul(h, r)
    score = jnp.sum(hr * t, axis=-1)
    return score

if __name__ == "__main__":
    import jax
    _d = setup_inputs()
    print(jax.jit(kernel)(*tuple(_d.values())))

</pallas_src>

<mosaic_0001>
#map = affine_map<(d0, d1) -> (0)>
#map1 = affine_map<(d0, d1) -> (0, 0)>
module attributes {stable_mosaic.version = 14 : i64} {
  func.func @_quate_sc(%arg0: i32, %arg1: i32, %arg2: memref<16384xi32, #tpu.memory_space<hbm>>, %arg3: memref<16384xi32, #tpu.memory_space<hbm>>, %arg4: memref<16384xi32, #tpu.memory_space<hbm>>, %arg5: memref<100000x128xf32, #tpu.memory_space<hbm>>, %arg6: memref<1000x128xf32, #tpu.memory_space<hbm>>, %arg7: memref<16384xf32, #tpu.memory_space<hbm>>, %arg8: memref<512xi32, #tpu.memory_space<vmem>>, %arg9: memref<512xi32, #tpu.memory_space<vmem>>, %arg10: memref<512xi32, #tpu.memory_space<vmem>>, %arg11: memref<2x128x128xf32, #tpu.memory_space<vmem>>, %arg12: memref<2x128x128xf32, #tpu.memory_space<vmem>>, %arg13: memref<2x128x128xf32, #tpu.memory_space<vmem>>, %arg14: memref<128x32xf32, #tpu.memory_space<vmem>>, %arg15: memref<2x128xf32, #tpu.memory_space<vmem>>, %arg16: memref<!tpu.dma_semaphore, #tpu.memory_space<semaphore_mem>>, %arg17: memref<!tpu.dma_semaphore, #tpu.memory_space<semaphore_mem>>, %arg18: memref<!tpu.dma_semaphore, #tpu.memory_space<semaphore_mem>>, %arg19: memref<!tpu.dma_semaphore, #tpu.memory_space<semaphore_mem>>) attributes {dimension_semantics = [#tpu.dimension_semantics<core_parallel>, #tpu.dimension_semantics<subcore_parallel>], iteration_bounds = array<i64: 2, 16>, scalar_prefetch = 0 : i64, scratch_operands = 12 : i64, tpu.core_type = #tpu.core_type<sc_vector_subcore>, window_params = [{transform_indices = #map}, {transform_indices = #map}, {transform_indices = #map}, {transform_indices = #map1}, {transform_indices = #map1}, {transform_indices = #map}]} {
    %mul3A = arith.constant 2 : i32
    %mul3A_0 = arith.muli %arg1, %mul3A : i32
    %add3A = arith.addi %mul3A_0, %arg0 : i32
    %mul3A_1 = arith.constant 512 : i32
    %mul3A_2 = arith.muli %add3A, %mul3A_1 : i32
    %dma_start3A = arith.constant 0 : i32
    %dma_start3A_3 = tpu.memref_slice %arg8[%dma_start3A] : memref<512xi32, #tpu.memory_space<vmem>> -> memref<128xi32, #tpu.memory_space<vmem>>
    %dma_start3A_4 = tpu.memref_slice %arg2[%mul3A_2] : memref<16384xi32, #tpu.memory_space<hbm>> -> memref<128xi32, #tpu.memory_space<hbm>>
    %dma_start3A_5 = arith.constant 0 : i32
    %dma_start3A_6 = tpu.memref_slice %arg8[%dma_start3A_5] : memref<512xi32, #tpu.memory_space<vmem>> -> memref<128xi32, #tpu.memory_space<vmem>>
    %dma_start3A_7 = tpu.memref_slice %arg2[%mul3A_2] : memref<16384xi32, #tpu.memory_space<hbm>> -> memref<128xi32, #tpu.memory_space<hbm>>
    tpu.enqueue_dma source(%dma_start3A_7 : memref<128xi32, #tpu.memory_space<hbm>>) target(%dma_start3A_6 : memref<128xi32, #tpu.memory_space<vmem>>) target_semaphore(%arg16 : memref<!tpu.dma_semaphore, #tpu.memory_space<semaphore_mem>>)
    %dma_start3A_8 = arith.constant 0 : i32
    %dma_start3A_9 = tpu.memref_slice %arg9[%dma_start3A_8] : memref<512xi32, #tpu.memory_space<vmem>> -> memref<128xi32, #tpu.memory_space<vmem>>
    %dma_start3A_10 = tpu.memref_slice %arg3[%mul3A_2] : memref<16384xi32, #tpu.memory_space<hbm>> -> memref<128xi32, #tpu.memory_space<hbm>>
    %dma_start3A_11 = arith.constant 0 : i32
    %dma_start3A_12 = tpu.memref_slice %arg9[%dma_start3A_11] : memref<512xi32, #tpu.memory_space<vmem>> -> memref<128xi32, #tpu.memory_space<vmem>>
    %dma_start3A_13 = tpu.memref_slice %arg3[%mul3A_2] : memref<16384xi32, #tpu.memory_space<hbm>> -> memref<128xi32, #tpu.memory_space<hbm>>
    tpu.enqueue_dma source(%dma_start3A_13 : memref<128xi32, #tpu.memory_space<hbm>>) target(%dma_start3A_12 : memref<128xi32, #tpu.memory_space<vmem>>) target_semaphore(%arg16 : memref<!tpu.dma_semaphore, #tpu.memory_space<semaphore_mem>>)
    %dma_start3A_14 = arith.constant 0 : i32
    %dma_start3A_15 = tpu.memref_slice %arg10[%dma_start3A_14] : memref<512xi32, #tpu.memory_space<vmem>> -> memref<128xi32, #tpu.memory_space<vmem>>
    %dma_start3A_16 = tpu.memref_slice %arg4[%mul3A_2] : memref<16384xi32, #tpu.memory_space<hbm>> -> memref<128xi32, #tpu.memory_space<hbm>>
    %dma_start3A_17 = arith.constant 0 : i32
    %dma_start3A_18 = tpu.memref_slice %arg10[%dma_start3A_17] : memref<512xi32, #tpu.memory_space<vmem>> -> memref<128xi32, #tpu.memory_space<vmem>>
    %dma_start3A_19 = tpu.memref_slice %arg4[%mul3A_2] : memref<16384xi32, #tpu.memory_space<hbm>> -> memref<128xi32, #tpu.memory_space<hbm>>
    tpu.enqueue_dma source(%dma_start3A_19 : memref<128xi32, #tpu.memory_space<hbm>>) target(%dma_start3A_18 : memref<128xi32, #tpu.memory_space<vmem>>) target_semaphore(%arg16 : memref<!tpu.dma_semaphore, #tpu.memory_space<semaphore_mem>>)
    %dma_wait3A = arith.constant 0 : i32
    %dma_wait3A_20 = tpu.memref_slice %arg8[%dma_wait3A] : memref<512xi32, #tpu.memory_space<vmem>> -> memref<128xi32, #tpu.memory_space<vmem>>
    %dma_wait3A_21 = tpu.memref_slice %arg2[%mul3A_2] : memref<16384xi32, #tpu.memory_space<hbm>> -> memref<128xi32, #tpu.memory_space<hbm>>
    %dma_wait3A_22 = arith.constant 0 : i32
    %dma_wait3A_23 = tpu.memref_slice %arg8[%dma_wait3A_22] : memref<512xi32, #tpu.memory_space<vmem>> -> memref<128xi32, #tpu.memory_space<vmem>>
    %dma_wait3A_24 = tpu.memref_slice %arg2[%mul3A_2] : memref<16384xi32, #tpu.memory_space<hbm>> -> memref<128xi32, #tpu.memory_space<hbm>>
    tpu.wait_dma2 semaphore(%arg16 : memref<!tpu.dma_semaphore, #tpu.memory_space<semaphore_mem>>) src(%dma_wait3A_24 : memref<128xi32, #tpu.memory_space<hbm>>) dst(%dma_wait3A_23 : memref<128xi32, #tpu.memory_space<vmem>>)
    %dma_wait3A_25 = arith.constant 0 : i32
    %dma_wait3A_26 = tpu.memref_slice %arg9[%dma_wait3A_25] : memref<512xi32, #tpu.memory_space<vmem>> -> memref<128xi32, #tpu.memory_space<vmem>>
    %dma_wait3A_27 = tpu.memref_slice %arg3[%mul3A_2] : memref<16384xi32, #tpu.memory_space<hbm>> -> memref<128xi32, #tpu.memory_space<hbm>>
    %dma_wait3A_28 = arith.constant 0 : i32
    %dma_wait3A_29 = tpu.memref_slice %arg9[%dma_wait3A_28] : memref<512xi32, #tpu.memory_space<vmem>> -> memref<128xi32, #tpu.memory_space<vmem>>
    %dma_wait3A_30 = tpu.memref_slice %arg3[%mul3A_2] : memref<16384xi32, #tpu.memory_space<hbm>> -> memref<128xi32, #tpu.memory_space<hbm>>
    tpu.wait_dma2 semaphore(%arg16 : memref<!tpu.dma_semaphore, #tpu.memory_space<semaphore_mem>>) src(%dma_wait3A_30 : memref<128xi32, #tpu.memory_space<hbm>>) dst(%dma_wait3A_29 : memref<128xi32, #tpu.memory_space<vmem>>)
    %dma_wait3A_31 = arith.constant 0 : i32
    %dma_wait3A_32 = tpu.memref_slice %arg10[%dma_wait3A_31] : memref<512xi32, #tpu.memory_space<vmem>> -> memref<128xi32, #tpu.memory_space<vmem>>
    %dma_wait3A_33 = tpu.memref_slice %arg4[%mul3A_2] : memref<16384xi32, #tpu.memory_space<hbm>> -> memref<128xi32, #tpu.memory_space<hbm>>
    %dma_wait3A_34 = arith.constant 0 : i32
    %dma_wait3A_35 = tpu.memref_slice %arg10[%dma_wait3A_34] : memref<512xi32, #tpu.memory_space<vmem>> -> memref<128xi32, #tpu.memory_space<vmem>>
    %dma_wait3A_36 = tpu.memref_slice %arg4[%mul3A_2] : memref<16384xi32, #tpu.memory_space<hbm>> -> memref<128xi32, #tpu.memory_space<hbm>>
    tpu.wait_dma2 semaphore(%arg16 : memref<!tpu.dma_semaphore, #tpu.memory_space<semaphore_mem>>) src(%dma_wait3A_36 : memref<128xi32, #tpu.memory_space<hbm>>) dst(%dma_wait3A_35 : memref<128xi32, #tpu.memory_space<vmem>>)
    %dma_start3A_37 = arith.constant 0 : i32
    %dma_start3A_38 = arith.constant 0 : i32
    %dma_start3A_39 = arith.constant 0 : i32
    %dma_start3A_40 = tpu.memref_slice %arg11[%dma_start3A_37, %dma_start3A_38, %dma_start3A_39] : memref<2x128x128xf32, #tpu.memory_space<vmem>> -> memref<1x128x128xf32, #tpu.memory_space<vmem>>
    %dma_start3A_41 = tpu.memref_squeeze %dma_start3A_40 : memref<1x128x128xf32, #tpu.memory_space<vmem>> -> memref<128x128xf32, #tpu.memory_space<vmem>>
    %dma_start3A_42 = arith.constant 0 : i32
    %dma_start3A_43 = tpu.memref_slice %arg8[%dma_start3A_42] : memref<512xi32, #tpu.memory_space<vmem>> -> memref<128xi32, #tpu.memory_space<vmem>>
    %dma_start3A_44 = arith.constant 0 : i32
    %dma_start3A_45 = arith.constant 0 : i32
    %dma_start3A_46 = tpu.memref_slice %arg5[%dma_start3A_44, %dma_start3A_45] : memref<100000x128xf32, #tpu.memory_space<hbm>> -> memref<100000x128xf32, #tpu.memory_space<hbm>>
    tpu.enqueue_indirect_dma source(%dma_start3A_46 : memref<100000x128xf32, #tpu.memory_space<hbm>>) target(%dma_start3A_41 : memref<128x128xf32, #tpu.memory_space<vmem>>) offsets(%dma_start3A_43 : memref<128xi32, #tpu.memory_space<vmem>>) semaphore(%arg16 : memref<!tpu.dma_semaphore, #tpu.memory_space<semaphore_mem>>)
    %dma_start3A_47 = arith.constant 0 : i32
    %dma_start3A_48 = arith.constant 0 : i32
    %dma_start3A_49 = arith.constant 0 : i32
    %dma_start3A_50 = tpu.memref_slice %arg12[%dma_start3A_47, %dma_start3A_48, %dma_start3A_49] : memref<2x128x128xf32, #tpu.memory_space<vmem>> -> memref<1x128x128xf32, #tpu.memory_space<vmem>>
    %dma_start3A_51 = tpu.memref_squeeze %dma_start3A_50 : memref<1x128x128xf32, #tpu.memory_space<vmem>> -> memref<128x128xf32, #tpu.memory_space<vmem>>
    %dma_start3A_52 = arith.constant 0 : i32
    %dma_start3A_53 = tpu.memref_slice %arg9[%dma_start3A_52] : memref<512xi32, #tpu.memory_space<vmem>> -> memref<128xi32, #tpu.memory_space<vmem>>
    %dma_start3A_54 = arith.constant 0 : i32
    %dma_start3A_55 = arith.constant 0 : i32
    %dma_start3A_56 = tpu.memref_slice %arg6[%dma_start3A_54, %dma_start3A_55] : memref<1000x128xf32, #tpu.memory_space<hbm>> -> memref<1000x128xf32, #tpu.memory_space<hbm>>
    tpu.enqueue_indirect_dma source(%dma_start3A_56 : memref<1000x128xf32, #tpu.memory_space<hbm>>) target(%dma_start3A_51 : memref<128x128xf32, #tpu.memory_space<vmem>>) offsets(%dma_start3A_53 : memref<128xi32, #tpu.memory_space<vmem>>) semaphore(%arg16 : memref<!tpu.dma_semaphore, #tpu.memory_space<semaphore_mem>>)
    %dma_start3A_57 = arith.constant 0 : i32
    %dma_start3A_58 = arith.constant 0 : i32
    %dma_start3A_59 = arith.constant 0 : i32
    %dma_start3A_60 = tpu.memref_slice %arg13[%dma_start3A_57, %dma_start3A_58, %dma_start3A_59] : memref<2x128x128xf32, #tpu.memory_space<vmem>> -> memref<1x128x128xf32, #tpu.memory_space<vmem>>
    %dma_start3A_61 = tpu.memref_squeeze %dma_start3A_60 : memref<1x128x128xf32, #tpu.memory_space<vmem>> -> memref<128x128xf32, #tpu.memory_space<vmem>>
    %dma_start3A_62 = arith.constant 0 : i32
    %dma_start3A_63 = tpu.memref_slice %arg10[%dma_start3A_62] : memref<512xi32, #tpu.memory_space<vmem>> -> memref<128xi32, #tpu.memory_space<vmem>>
    %dma_start3A_64 = arith.constant 0 : i32
    %dma_start3A_65 = arith.constant 0 : i32
    %dma_start3A_66 = tpu.memref_slice %arg5[%dma_start3A_64, %dma_start3A_65] : memref<100000x128xf32, #tpu.memory_space<hbm>> -> memref<100000x128xf32, #tpu.memory_space<hbm>>
    tpu.enqueue_indirect_dma source(%dma_start3A_66 : memref<100000x128xf32, #tpu.memory_space<hbm>>) target(%dma_start3A_61 : memref<128x128xf32, #tpu.memory_space<vmem>>) offsets(%dma_start3A_63 : memref<128xi32, #tpu.memory_space<vmem>>) semaphore(%arg16 : memref<!tpu.dma_semaphore, #tpu.memory_space<semaphore_mem>>)
    %add3A_67 = arith.constant 128 : i32
    %add3A_68 = arith.addi %mul3A_2, %add3A_67 : i32
    %dma_start3A_69 = arith.constant 128 : i32
    %dma_start3A_70 = tpu.memref_slice %arg8[%dma_start3A_69] : memref<512xi32, #tpu.memory_space<vmem>> -> memref<384xi32, #tpu.memory_space<vmem>>
    %dma_start3A_71 = tpu.memref_slice %arg2[%add3A_68] : memref<16384xi32, #tpu.memory_space<hbm>> -> memref<384xi32, #tpu.memory_space<hbm>>
    %dma_start3A_72 = arith.constant 128 : i32
    %dma_start3A_73 = tpu.memref_slice %arg8[%dma_start3A_72] : memref<512xi32, #tpu.memory_space<vmem>> -> memref<384xi32, #tpu.memory_space<vmem>>
    %dma_start3A_74 = tpu.memref_slice %arg2[%add3A_68] : memref<16384xi32, #tpu.memory_space<hbm>> -> memref<384xi32, #tpu.memory_space<hbm>>
    tpu.enqueue_dma source(%dma_start3A_74 : memref<384xi32, #tpu.memory_space<hbm>>) target(%dma_start3A_73 : memref<384xi32, #tpu.memory_space<vmem>>) target_semaphore(%arg17 : memref<!tpu.dma_semaphore, #tpu.memory_space<semaphore_mem>>)
    %add3A_75 = arith.constant 128 : i32
    %add3A_76 = arith.addi %mul3A_2, %add3A_75 : i32
    %dma_start3A_77 = arith.constant 128 : i32
    %dma_start3A_78 = tpu.memref_slice %arg9[%dma_start3A_77] : memref<512xi32, #tpu.memory_space<vmem>> -> memref<384xi32, #tpu.memory_space<vmem>>
    %dma_start3A_79 = tpu.memref_slice %arg3[%add3A_76] : memref<16384xi32, #tpu.memory_space<hbm>> -> memref<384xi32, #tpu.memory_space<hbm>>
    %dma_start3A_80 = arith.constant 128 : i32
    %dma_start3A_81 = tpu.memref_slice %arg9[%dma_start3A_80] : memref<512xi32, #tpu.memory_space<vmem>> -> memref<384xi32, #tpu.memory_space<vmem>>
    %dma_start3A_82 = tpu.memref_slice %arg3[%add3A_76] : memref<16384xi32, #tpu.memory_space<hbm>> -> memref<384xi32, #tpu.memory_space<hbm>>
    tpu.enqueue_dma source(%dma_start3A_82 : memref<384xi32, #tpu.memory_space<hbm>>) target(%dma_start3A_81 : memref<384xi32, #tpu.memory_space<vmem>>) target_semaphore(%arg17 : memref<!tpu.dma_semaphore, #tpu.memory_space<semaphore_mem>>)
    %add3A_83 = arith.constant 128 : i32
    %add3A_84 = arith.addi %mul3A_2, %add3A_83 : i32
    %dma_start3A_85 = arith.constant 128 : i32
    %dma_start3A_86 = tpu.memref_slice %arg10[%dma_start3A_85] : memref<512xi32, #tpu.memory_space<vmem>> -> memref<384xi32, #tpu.memory_space<vmem>>
    %dma_start3A_87 = tpu.memref_slice %arg4[%add3A_84] : memref<16384xi32, #tpu.memory_space<hbm>> -> memref<384xi32, #tpu.memory_space<hbm>>
    %dma_start3A_88 = arith.constant 128 : i32
    %dma_start3A_89 = tpu.memref_slice %arg10[%dma_start3A_88] : memref<512xi32, #tpu.memory_space<vmem>> -> memref<384xi32, #tpu.memory_space<vmem>>
    %dma_start3A_90 = tpu.memref_slice %arg4[%add3A_84] : memref<16384xi32, #tpu.memory_space<hbm>> -> memref<384xi32, #tpu.memory_space<hbm>>
    tpu.enqueue_dma source(%dma_start3A_90 : memref<384xi32, #tpu.memory_space<hbm>>) target(%dma_start3A_89 : memref<384xi32, #tpu.memory_space<vmem>>) target_semaphore(%arg17 : memref<!tpu.dma_semaphore, #tpu.memory_space<semaphore_mem>>)
    %add3A_91 = arith.constant 128 : i32
    %add3A_92 = arith.addi %mul3A_2, %add3A_91 : i32
    %dma_wait3A_93 = arith.constant 128 : i32
    %dma_wait3A_94 = tpu.memref_slice %arg8[%dma_wait3A_93] : memref<512xi32, #tpu.memory_space<vmem>> -> memref<384xi32, #tpu.memory_space<vmem>>
    %dma_wait3A_95 = tpu.memref_slice %arg2[%add3A_92] : memref<16384xi32, #tpu.memory_space<hbm>> -> memref<384xi32, #tpu.memory_space<hbm>>
    %dma_wait3A_96 = arith.constant 128 : i32
    %dma_wait3A_97 = tpu.memref_slice %arg8[%dma_wait3A_96] : memref<512xi32, #tpu.memory_space<vmem>> -> memref<384xi32, #tpu.memory_space<vmem>>
    %dma_wait3A_98 = tpu.memref_slice %arg2[%add3A_92] : memref<16384xi32, #tpu.memory_space<hbm>> -> memref<384xi32, #tpu.memory_space<hbm>>
    tpu.wait_dma2 semaphore(%arg17 : memref<!tpu.dma_semaphore, #tpu.memory_space<semaphore_mem>>) src(%dma_wait3A_98 : memref<384xi32, #tpu.memory_space<hbm>>) dst(%dma_wait3A_97 : memref<384xi32, #tpu.memory_space<vmem>>)
    %add3A_99 = arith.constant 128 : i32
    %add3A_100 = arith.addi %mul3A_2, %add3A_99 : i32
    %dma_wait3A_101 = arith.constant 128 : i32
    %dma_wait3A_102 = tpu.memref_slice %arg9[%dma_wait3A_101] : memref<512xi32, #tpu.memory_space<vmem>> -> memref<384xi32, #tpu.memory_space<vmem>>
    %dma_wait3A_103 = tpu.memref_slice %arg3[%add3A_100] : memref<16384xi32, #tpu.memory_space<hbm>> -> memref<384xi32, #tpu.memory_space<hbm>>
    %dma_wait3A_104 = arith.constant 128 : i32
    %dma_wait3A_105 = tpu.memref_slice %arg9[%dma_wait3A_104] : memref<512xi32, #tpu.memory_space<vmem>> -> memref<384xi32, #tpu.memory_space<vmem>>
    %dma_wait3A_106 = tpu.memref_slice %arg3[%add3A_100] : memref<16384xi32, #tpu.memory_space<hbm>> -> memref<384xi32, #tpu.memory_space<hbm>>
    tpu.wait_dma2 semaphore(%arg17 : memref<!tpu.dma_semaphore, #tpu.memory_space<semaphore_mem>>) src(%dma_wait3A_106 : memref<384xi32, #tpu.memory_space<hbm>>) dst(%dma_wait3A_105 : memref<384xi32, #tpu.memory_space<vmem>>)
    %add3A_107 = arith.constant 128 : i32
    %add3A_108 = arith.addi %mul3A_2, %add3A_107 : i32
    %dma_wait3A_109 = arith.constant 128 : i32
    %dma_wait3A_110 = tpu.memref_slice %arg10[%dma_wait3A_109] : memref<512xi32, #tpu.memory_space<vmem>> -> memref<384xi32, #tpu.memory_space<vmem>>
    %dma_wait3A_111 = tpu.memref_slice %arg4[%add3A_108] : memref<16384xi32, #tpu.memory_space<hbm>> -> memref<384xi32, #tpu.memory_space<hbm>>
    %dma_wait3A_112 = arith.constant 128 : i32
    %dma_wait3A_113 = tpu.memref_slice %arg10[%dma_wait3A_112] : memref<512xi32, #tpu.memory_space<vmem>> -> memref<384xi32, #tpu.memory_space<vmem>>
    %dma_wait3A_114 = tpu.memref_slice %arg4[%add3A_108] : memref<16384xi32, #tpu.memory_space<hbm>> -> memref<384xi32, #tpu.memory_space<hbm>>
    tpu.wait_dma2 semaphore(%arg17 : memref<!tpu.dma_semaphore, #tpu.memory_space<semaphore_mem>>) src(%dma_wait3A_114 : memref<384xi32, #tpu.memory_space<hbm>>) dst(%dma_wait3A_113 : memref<384xi32, #tpu.memory_space<vmem>>)
    %scan3A = arith.constant 0 : i32
    %scan3A_115 = arith.constant 0 : i32
    %scan3A_116 = arith.constant 4 : i32
    %scan3A_117 = arith.addi %scan3A_115, %scan3A_116 : i32
    %scan3A_118 = arith.constant 1 : i32
    %scan3A_119 = scf.for %scan3A_147 = %scan3A_115 to %scan3A_117 step %scan3A_118 iter_args(%scan3A_148 = %scan3A) -> (i32)  : i32 {
      %jit3A = arith.constant 2 : i32
      %eq3A = arith.constant 0 : i32
      %eq3A_149 = arith.cmpi eq, %jit3A, %eq3A : i32
      %jit3A_150 = arith.constant 1 : i32
      %select_n3A = arith.select %eq3A_149, %jit3A_150, %jit3A : i32
      %rem3A = arith.remsi %scan3A_147, %select_n3A : i32
      %ne3A = arith.constant 0 : i32
      %ne3A_151 = arith.cmpi ne, %rem3A, %ne3A : i32
      %lt3A = arith.constant 0 : i32
      %lt3A_152 = arith.cmpi slt, %rem3A, %lt3A : i32
      %lt3A_153 = arith.constant 0 : i32
      %lt3A_154 = arith.cmpi slt, %select_n3A, %lt3A_153 : i32
      %ne3A_155 = arith.xori %lt3A_152, %lt3A_154 : i1
      %and3A = arith.andi %ne3A_155, %ne3A_151 : i1
      %add3A_156 = arith.addi %rem3A, %select_n3A : i32
      %select_n3A_157 = arith.select %and3A, %add3A_156, %rem3A : i32
      %eq3A_158 = arith.constant 0 : i32
      %eq3A_159 = arith.cmpi eq, %select_n3A_157, %eq3A_158 : i32
      %convert_element_type3A = arith.extui %eq3A_159 : i1 to i32
      %cond3A = arith.constant 0 : i32
      %cond3A_160 = arith.cmpi ne, %convert_element_type3A, %cond3A : i32
      scf.if %cond3A_160 {
        %mul3A_254 = arith.constant 128 : i32
        %mul3A_255 = arith.muli %scan3A_147, %mul3A_254 : i32
        %dma_wait3A_256 = arith.constant 0 : i32
        %dma_wait3A_257 = arith.constant 0 : i32
        %dma_wait3A_258 = arith.constant 0 : i32
        %dma_wait3A_259 = tpu.memref_slice %arg11[%dma_wait3A_256, %dma_wait3A_257, %dma_wait3A_258] : memref<2x128x128xf32, #tpu.memory_space<vmem>> -> memref<1x128x128xf32, #tpu.memory_space<vmem>>
        %dma_wait3A_260 = tpu.memref_squeeze %dma_wait3A_259 : memref<1x128x128xf32, #tpu.memory_space<vmem>> -> memref<128x128xf32, #tpu.memory_space<vmem>>
        %dma_wait3A_261 = tpu.memref_slice %arg8[%mul3A_255] : memref<512xi32, #tpu.memory_space<vmem>> -> memref<128xi32, #tpu.memory_space<vmem>>
        %dma_wait3A_262 = arith.constant 0 : i32
        %dma_wait3A_263 = arith.constant 0 : i32
        %dma_wait3A_264 = tpu.memref_slice %arg5[%dma_wait3A_262, %dma_wait3A_263] : memref<100000x128xf32, #tpu.memory_space<hbm>> -> memref<100000x128xf32, #tpu.memory_space<hbm>>
        tpu.wait_indirect_dma semaphore(%arg16 : memref<!tpu.dma_semaphore, #tpu.memory_space<semaphore_mem>>) src(%dma_wait3A_264 : memref<100000x128xf32, #tpu.memory_space<hbm>>) dst(%dma_wait3A_260 : memref<128x128xf32, #tpu.memory_space<vmem>>)
        %dma_wait3A_265 = arith.constant 0 : i32
        %dma_wait3A_266 = arith.constant 0 : i32
        %dma_wait3A_267 = arith.constant 0 : i32
        %dma_wait3A_268 = tpu.memref_slice %arg12[%dma_wait3A_265, %dma_wait3A_266, %dma_wait3A_267] : memref<2x128x128xf32, #tpu.memory_space<vmem>> -> memref<1x128x128xf32, #tpu.memory_space<vmem>>
        %dma_wait3A_269 = tpu.memref_squeeze %dma_wait3A_268 : memref<1x128x128xf32, #tpu.memory_space<vmem>> -> memref<128x128xf32, #tpu.memory_space<vmem>>
        %dma_wait3A_270 = tpu.memref_slice %arg9[%mul3A_255] : memref<512xi32, #tpu.memory_space<vmem>> -> memref<128xi32, #tpu.memory_space<vmem>>
        %dma_wait3A_271 = arith.constant 0 : i32
        %dma_wait3A_272 = arith.constant 0 : i32
        %dma_wait3A_273 = tpu.memref_slice %arg6[%dma_wait3A_271, %dma_wait3A_272] : memref<1000x128xf32, #tpu.memory_space<hbm>> -> memref<1000x128xf32, #tpu.memory_space<hbm>>
        tpu.wait_indirect_dma semaphore(%arg16 : memref<!tpu.dma_semaphore, #tpu.memory_space<semaphore_mem>>) src(%dma_wait3A_273 : memref<1000x128xf32, #tpu.memory_space<hbm>>) dst(%dma_wait3A_269 : memref<128x128xf32, #tpu.memory_space<vmem>>)
        %dma_wait3A_274 = arith.constant 0 : i32
        %dma_wait3A_275 = arith.constant 0 : i32
        %dma_wait3A_276 = arith.constant 0 : i32
        %dma_wait3A_277 = tpu.memref_slice %arg13[%dma_wait3A_274, %dma_wait3A_275, %dma_wait3A_276] : memref<2x128x128xf32, #tpu.memory_space<vmem>> -> memref<1x128x128xf32, #tpu.memory_space<vmem>>
        %dma_wait3A_278 = tpu.memref_squeeze %dma_wait3A_277 : memref<1x128x128xf32, #tpu.memory_space<vmem>> -> memref<128x128xf32, #tpu.memory_space<vmem>>
        %dma_wait3A_279 = tpu.memref_slice %arg10[%mul3A_255] : memref<512xi32, #tpu.memory_space<vmem>> -> memref<128xi32, #tpu.memory_space<vmem>>
        %dma_wait3A_280 = arith.constant 0 : i32
        %dma_wait3A_281 = arith.constant 0 : i32
        %dma_wait3A_282 = tpu.memref_slice %arg5[%dma_wait3A_280, %dma_wait3A_281] : memref<100000x128xf32, #tpu.memory_space<hbm>> -> memref<100000x128xf32, #tpu.memory_space<hbm>>
        tpu.wait_indirect_dma semaphore(%arg16 : memref<!tpu.dma_semaphore, #tpu.memory_space<semaphore_mem>>) src(%dma_wait3A_282 : memref<100000x128xf32, #tpu.memory_space<hbm>>) dst(%dma_wait3A_278 : memref<128x128xf32, #tpu.memory_space<vmem>>)
      } else {
      }
      %eq3A_161 = arith.constant 1 : i32
      %eq3A_162 = arith.cmpi eq, %select_n3A_157, %eq3A_161 : i32
      %convert_element_type3A_163 = arith.extui %eq3A_162 : i1 to i32
      %cond3A_164 = arith.constant 0 : i32
      %cond3A_165 = arith.cmpi ne, %convert_element_type3A_163, %cond3A_164 : i32
      scf.if %cond3A_165 {
        %mul3A_254 = arith.constant 128 : i32
        %mul3A_255 = arith.muli %scan3A_147, %mul3A_254 : i32
        %dma_wait3A_256 = arith.constant 1 : i32
        %dma_wait3A_257 = arith.constant 0 : i32
        %dma_wait3A_258 = arith.constant 0 : i32
        %dma_wait3A_259 = tpu.memref_slice %arg11[%dma_wait3A_256, %dma_wait3A_257, %dma_wait3A_258] : memref<2x128x128xf32, #tpu.memory_space<vmem>> -> memref<1x128x128xf32, #tpu.memory_space<vmem>>
        %dma_wait3A_260 = tpu.memref_squeeze %dma_wait3A_259 : memref<1x128x128xf32, #tpu.memory_space<vmem>> -> memref<128x128xf32, #tpu.memory_space<vmem>>
        %dma_wait3A_261 = tpu.memref_slice %arg8[%mul3A_255] : memref<512xi32, #tpu.memory_space<vmem>> -> memref<128xi32, #tpu.memory_space<vmem>>
        %dma_wait3A_262 = arith.constant 0 : i32
        %dma_wait3A_263 = arith.constant 0 : i32
        %dma_wait3A_264 = tpu.memref_slice %arg5[%dma_wait3A_262, %dma_wait3A_263] : memref<100000x128xf32, #tpu.memory_space<hbm>> -> memref<100000x128xf32, #tpu.memory_space<hbm>>
        tpu.wait_indirect_dma semaphore(%arg17 : memref<!tpu.dma_semaphore, #tpu.memory_space<semaphore_mem>>) src(%dma_wait3A_264 : memref<100000x128xf32, #tpu.memory_space<hbm>>) dst(%dma_wait3A_260 : memref<128x128xf32, #tpu.memory_space<vmem>>)
        %dma_wait3A_265 = arith.constant 1 : i32
        %dma_wait3A_266 = arith.constant 0 : i32
        %dma_wait3A_267 = arith.constant 0 : i32
        %dma_wait3A_268 = tpu.memref_slice %arg12[%dma_wait3A_265, %dma_wait3A_266, %dma_wait3A_267] : memref<2x128x128xf32, #tpu.memory_space<vmem>> -> memref<1x128x128xf32, #tpu.memory_space<vmem>>
        %dma_wait3A_269 = tpu.memref_squeeze %dma_wait3A_268 : memref<1x128x128xf32, #tpu.memory_space<vmem>> -> memref<128x128xf32, #tpu.memory_space<vmem>>
        %dma_wait3A_270 = tpu.memref_slice %arg9[%mul3A_255] : memref<512xi32, #tpu.memory_space<vmem>> -> memref<128xi32, #tpu.memory_space<vmem>>
        %dma_wait3A_271 = arith.constant 0 : i32
        %dma_wait3A_272 = arith.constant 0 : i32
        %dma_wait3A_273 = tpu.memref_slice %arg6[%dma_wait3A_271, %dma_wait3A_272] : memref<1000x128xf32, #tpu.memory_space<hbm>> -> memref<1000x128xf32, #tpu.memory_space<hbm>>
        tpu.wait_indirect_dma semaphore(%arg17 : memref<!tpu.dma_semaphore, #tpu.memory_space<semaphore_mem>>) src(%dma_wait3A_273 : memref<1000x128xf32, #tpu.memory_space<hbm>>) dst(%dma_wait3A_269 : memref<128x128xf32, #tpu.memory_space<vmem>>)
        %dma_wait3A_274 = arith.constant 1 : i32
        %dma_wait3A_275 = arith.constant 0 : i32
        %dma_wait3A_276 = arith.constant 0 : i32
        %dma_wait3A_277 = tpu.memref_slice %arg13[%dma_wait3A_274, %dma_wait3A_275, %dma_wait3A_276] : memref<2x128x128xf32, #tpu.memory_space<vmem>> -> memref<1x128x128xf32, #tpu.memory_space<vmem>>
        %dma_wait3A_278 = tpu.memref_squeeze %dma_wait3A_277 : memref<1x128x128xf32, #tpu.memory_space<vmem>> -> memref<128x128xf32, #tpu.memory_space<vmem>>
        %dma_wait3A_279 = tpu.memref_slice %arg10[%mul3A_255] : memref<512xi32, #tpu.memory_space<vmem>> -> memref<128xi32, #tpu.memory_space<vmem>>
        %dma_wait3A_280 = arith.constant 0 : i32
        %dma_wait3A_281 = arith.constant 0 : i32
        %dma_wait3A_282 = tpu.memref_slice %arg5[%dma_wait3A_280, %dma_wait3A_281] : memref<100000x128xf32, #tpu.memory_space<hbm>> -> memref<100000x128xf32, #tpu.memory_space<hbm>>
        tpu.wait_indirect_dma semaphore(%arg17 : memref<!tpu.dma_semaphore, #tpu.memory_space<semaphore_mem>>) src(%dma_wait3A_282 : memref<100000x128xf32, #tpu.memory_space<hbm>>) dst(%dma_wait3A_278 : memref<128x128xf32, #tpu.memory_space<vmem>>)
      } else {
      }
      %eq3A_166 = arith.constant 0 : i32
      %eq3A_167 = arith.cmpi eq, %select_n3A_157, %eq3A_166 : i32
      %add3A_168 = arith.constant 1 : i32
      %add3A_169 = arith.addi %scan3A_147, %add3A_168 : i32
      %lt3A_170 = arith.constant 4 : i32
      %lt3A_171 = arith.cmpi slt, %add3A_169, %lt3A_170 : i32
      %and3A_172 = arith.andi %eq3A_167, %lt3A_171 : i1
      %convert_element_type3A_173 = arith.extui %and3A_172 : i1 to i32
      %cond3A_174 = arith.constant 0 : i32
      %cond3A_175 = arith.cmpi ne, %convert_element_type3A_173, %cond3A_174 : i32
      scf.if %cond3A_175 {
        %add3A_254 = arith.constant 1 : i32
        %add3A_255 = arith.addi %scan3A_147, %add3A_254 : i32
        %mul3A_256 = arith.constant 128 : i32
        %mul3A_257 = arith.muli %add3A_255, %mul3A_256 : i32
        %dma_start3A_258 = arith.constant 1 : i32
        %dma_start3A_259 = arith.constant 0 : i32
        %dma_start3A_260 = arith.constant 0 : i32
        %dma_start3A_261 = tpu.memref_slice %arg11[%dma_start3A_258, %dma_start3A_259, %dma_start3A_260] : memref<2x128x128xf32, #tpu.memory_space<vmem>> -> memref<1x128x128xf32, #tpu.memory_space<vmem>>
        %dma_start3A_262 = tpu.memref_squeeze %dma_start3A_261 : memref<1x128x128xf32, #tpu.memory_space<vmem>> -> memref<128x128xf32, #tpu.memory_space<vmem>>
        %dma_start3A_263 = tpu.memref_slice %arg8[%mul3A_257] : memref<512xi32, #tpu.memory_space<vmem>> -> memref<128xi32, #tpu.memory_space<vmem>>
        %dma_start3A_264 = arith.constant 0 : i32
        %dma_start3A_265 = arith.constant 0 : i32
        %dma_start3A_266 = tpu.memref_slice %arg5[%dma_start3A_264, %dma_start3A_265] : memref<100000x128xf32, #tpu.memory_space<hbm>> -> memref<100000x128xf32, #tpu.memory_space<hbm>>
        tpu.enqueue_indirect_dma source(%dma_start3A_266 : memref<100000x128xf32, #tpu.memory_space<hbm>>) target(%dma_start3A_262 : memref<128x128xf32, #tpu.memory_space<vmem>>) offsets(%dma_start3A_263 : memref<128xi32, #tpu.memory_space<vmem>>) semaphore(%arg17 : memref<!tpu.dma_semaphore, #tpu.memory_space<semaphore_mem>>)
        %dma_start3A_267 = arith.constant 1 : i32
        %dma_start3A_268 = arith.constant 0 : i32
        %dma_start3A_269 = arith.constant 0 : i32
        %dma_start3A_270 = tpu.memref_slice %arg12[%dma_start3A_267, %dma_start3A_268, %dma_start3A_269] : memref<2x128x128xf32, #tpu.memory_space<vmem>> -> memref<1x128x128xf32, #tpu.memory_space<vmem>>
        %dma_start3A_271 = tpu.memref_squeeze %dma_start3A_270 : memref<1x128x128xf32, #tpu.memory_space<vmem>> -> memref<128x128xf32, #tpu.memory_space<vmem>>
        %dma_start3A_272 = tpu.memref_slice %arg9[%mul3A_257] : memref<512xi32, #tpu.memory_space<vmem>> -> memref<128xi32, #tpu.memory_space<vmem>>
        %dma_start3A_273 = arith.constant 0 : i32
        %dma_start3A_274 = arith.constant 0 : i32
        %dma_start3A_275 = tpu.memref_slice %arg6[%dma_start3A_273, %dma_start3A_274] : memref<1000x128xf32, #tpu.memory_space<hbm>> -> memref<1000x128xf32, #tpu.memory_space<hbm>>
        tpu.enqueue_indirect_dma source(%dma_start3A_275 : memref<1000x128xf32, #tpu.memory_space<hbm>>) target(%dma_start3A_271 : memref<128x128xf32, #tpu.memory_space<vmem>>) offsets(%dma_start3A_272 : memref<128xi32, #tpu.memory_space<vmem>>) semaphore(%arg17 : memref<!tpu.dma_semaphore, #tpu.memory_space<semaphore_mem>>)
        %dma_start3A_276 = arith.constant 1 : i32
        %dma_start3A_277 = arith.constant 0 : i32
        %dma_start3A_278 = arith.constant 0 : i32
        %dma_start3A_279 = tpu.memref_slice %arg13[%dma_start3A_276, %dma_start3A_277, %dma_start3A_278] : memref<2x128x128xf32, #tpu.memory_space<vmem>> -> memref<1x128x128xf32, #tpu.memory_space<vmem>>
        %dma_start3A_280 = tpu.memref_squeeze %dma_start3A_279 : memref<1x128x128xf32, #tpu.memory_space<vmem>> -> memref<128x128xf32, #tpu.memory_space<vmem>>
        %dma_start3A_281 = tpu.memref_slice %arg10[%mul3A_257] : memref<512xi32, #tpu.memory_space<vmem>> -> memref<128xi32, #tpu.memory_space<vmem>>
        %dma_start3A_282 = arith.constant 0 : i32
        %dma_start3A_283 = arith.constant 0 : i32
        %dma_start3A_284 = tpu.memref_slice %arg5[%dma_start3A_282, %dma_start3A_283] : memref<100000x128xf32, #tpu.memory_space<hbm>> -> memref<100000x128xf32, #tpu.memory_space<hbm>>
        tpu.enqueue_indirect_dma source(%dma_start3A_284 : memref<100000x128xf32, #tpu.memory_space<hbm>>) target(%dma_start3A_280 : memref<128x128xf32, #tpu.memory_space<vmem>>) offsets(%dma_start3A_281 : memref<128xi32, #tpu.memory_space<vmem>>) semaphore(%arg17 : memref<!tpu.dma_semaphore, #tpu.memory_space<semaphore_mem>>)
      } else {
      }
      %eq3A_176 = arith.constant 1 : i32
      %eq3A_177 = arith.cmpi eq, %select_n3A_157, %eq3A_176 : i32
      %add3A_178 = arith.constant 1 : i32
      %add3A_179 = arith.addi %scan3A_147, %add3A_178 : i32
      %lt3A_180 = arith.constant 4 : i32
      %lt3A_181 = arith.cmpi slt, %add3A_179, %lt3A_180 : i32
      %and3A_182 = arith.andi %eq3A_177, %lt3A_181 : i1
      %convert_element_type3A_183 = arith.extui %and3A_182 : i1 to i32
      %cond3A_184 = arith.constant 0 : i32
      %cond3A_185 = arith.cmpi ne, %convert_element_type3A_183, %cond3A_184 : i32
      scf.if %cond3A_185 {
        %add3A_254 = arith.constant 1 : i32
        %add3A_255 = arith.addi %scan3A_147, %add3A_254 : i32
        %mul3A_256 = arith.constant 128 : i32
        %mul3A_257 = arith.muli %add3A_255, %mul3A_256 : i32
        %dma_start3A_258 = arith.constant 0 : i32
        %dma_start3A_259 = arith.constant 0 : i32
        %dma_start3A_260 = arith.constant 0 : i32
        %dma_start3A_261 = tpu.memref_slice %arg11[%dma_start3A_258, %dma_start3A_259, %dma_start3A_260] : memref<2x128x128xf32, #tpu.memory_space<vmem>> -> memref<1x128x128xf32, #tpu.memory_space<vmem>>
        %dma_start3A_262 = tpu.memref_squeeze %dma_start3A_261 : memref<1x128x128xf32, #tpu.memory_space<vmem>> -> memref<128x128xf32, #tpu.memory_space<vmem>>
        %dma_start3A_263 = tpu.memref_slice %arg8[%mul3A_257] : memref<512xi32, #tpu.memory_space<vmem>> -> memref<128xi32, #tpu.memory_space<vmem>>
        %dma_start3A_264 = arith.constant 0 : i32
        %dma_start3A_265 = arith.constant 0 : i32
        %dma_start3A_266 = tpu.memref_slice %arg5[%dma_start3A_264, %dma_start3A_265] : memref<100000x128xf32, #tpu.memory_space<hbm>> -> memref<100000x128xf32, #tpu.memory_space<hbm>>
        tpu.enqueue_indirect_dma source(%dma_start3A_266 : memref<100000x128xf32, #tpu.memory_space<hbm>>) target(%dma_start3A_262 : memref<128x128xf32, #tpu.memory_space<vmem>>) offsets(%dma_start3A_263 : memref<128xi32, #tpu.memory_space<vmem>>) semaphore(%arg16 : memref<!tpu.dma_semaphore, #tpu.memory_space<semaphore_mem>>)
        %dma_start3A_267 = arith.constant 0 : i32
        %dma_start3A_268 = arith.constant 0 : i32
        %dma_start3A_269 = arith.constant 0 : i32
        %dma_start3A_270 = tpu.memref_slice %arg12[%dma_start3A_267, %dma_start3A_268, %dma_start3A_269] : memref<2x128x128xf32, #tpu.memory_space<vmem>> -> memref<1x128x128xf32, #tpu.memory_space<vmem>>
        %dma_start3A_271 = tpu.memref_squeeze %dma_start3A_270 : memref<1x128x128xf32, #tpu.memory_space<vmem>> -> memref<128x128xf32, #tpu.memory_space<vmem>>
        %dma_start3A_272 = tpu.memref_slice %arg9[%mul3A_257] : memref<512xi32, #tpu.memory_space<vmem>> -> memref<128xi32, #tpu.memory_space<vmem>>
        %dma_start3A_273 = arith.constant 0 : i32
        %dma_start3A_274 = arith.constant 0 : i32
        %dma_start3A_275 = tpu.memref_slice %arg6[%dma_start3A_273, %dma_start3A_274] : memref<1000x128xf32, #tpu.memory_space<hbm>> -> memref<1000x128xf32, #tpu.memory_space<hbm>>
        tpu.enqueue_indirect_dma source(%dma_start3A_275 : memref<1000x128xf32, #tpu.memory_space<hbm>>) target(%dma_start3A_271 : memref<128x128xf32, #tpu.memory_space<vmem>>) offsets(%dma_start3A_272 : memref<128xi32, #tpu.memory_space<vmem>>) semaphore(%arg16 : memref<!tpu.dma_semaphore, #tpu.memory_space<semaphore_mem>>)
        %dma_start3A_276 = arith.constant 0 : i32
        %dma_start3A_277 = arith.constant 0 : i32
        %dma_start3A_278 = arith.constant 0 : i32
        %dma_start3A_279 = tpu.memref_slice %arg13[%dma_start3A_276, %dma_start3A_277, %dma_start3A_278] : memref<2x128x128xf32, #tpu.memory_space<vmem>> -> memref<1x128x128xf32, #tpu.memory_space<vmem>>
        %dma_start3A_280 = tpu.memref_squeeze %dma_start3A_279 : memref<1x128x128xf32, #tpu.memory_space<vmem>> -> memref<128x128xf32, #tpu.memory_space<vmem>>
        %dma_start3A_281 = tpu.memref_slice %arg10[%mul3A_257] : memref<512xi32, #tpu.memory_space<vmem>> -> memref<128xi32, #tpu.memory_space<vmem>>
        %dma_start3A_282 = arith.constant 0 : i32
        %dma_start3A_283 = arith.constant 0 : i32
        %dma_start3A_284 = tpu.memref_slice %arg5[%dma_start3A_282, %dma_start3A_283] : memref<100000x128xf32, #tpu.memory_space<hbm>> -> memref<100000x128xf32, #tpu.memory_space<hbm>>
        tpu.enqueue_indirect_dma source(%dma_start3A_284 : memref<100000x128xf32, #tpu.memory_space<hbm>>) target(%dma_start3A_280 : memref<128x128xf32, #tpu.memory_space<vmem>>) offsets(%dma_start3A_281 : memref<128xi32, #tpu.memory_space<vmem>>) semaphore(%arg16 : memref<!tpu.dma_semaphore, #tpu.memory_space<semaphore_mem>>)
      } else {
      }
      %eq3A_186 = arith.constant 0 : i32
      %eq3A_187 = arith.cmpi eq, %select_n3A_157, %eq3A_186 : i32
      %ge3A = arith.constant 2 : i32
      %ge3A_188 = arith.cmpi sge, %scan3A_147, %ge3A : i32
      %and3A_189 = arith.andi %eq3A_187, %ge3A_188 : i1
      %convert_element_type3A_190 = arith.extui %and3A_189 : i1 to i32
      %cond3A_191 = arith.constant 0 : i32
      %cond3A_192 = arith.cmpi ne, %convert_element_type3A_190, %cond3A_191 : i32
      scf.if %cond3A_192 {
        %sub3A = arith.constant 2 : i32
        %sub3A_254 = arith.subi %scan3A_147, %sub3A : i32
        %mul3A_255 = arith.constant 512 : i32
        %mul3A_256 = arith.muli %add3A, %mul3A_255 : i32
        %mul3A_257 = arith.constant 128 : i32
        %mul3A_258 = arith.muli %sub3A_254, %mul3A_257 : i32
        %add3A_259 = arith.addi %mul3A_256, %mul3A_258 : i32
        %dma_wait3A_260 = arith.constant 0 : i32
        %dma_wait3A_261 = arith.constant 0 : i32
        %dma_wait3A_262 = tpu.memref_slice %arg15[%dma_wait3A_260, %dma_wait3A_261] : memref<2x128xf32, #tpu.memory_space<vmem>> -> memref<1x128xf32, #tpu.memory_space<vmem>>
        %dma_wait3A_263 = tpu.memref_squeeze %dma_wait3A_262 : memref<1x128xf32, #tpu.memory_space<vmem>> -> memref<128xf32, #tpu.memory_space<vmem>>
        %dma_wait3A_264 = tpu.memref_slice %arg7[%add3A_259] : memref<16384xf32, #tpu.memory_space<hbm>> -> memref<128xf32, #tpu.memory_space<hbm>>
        %dma_wait3A_265 = tpu.memref_slice %arg7[%add3A_259] : memref<16384xf32, #tpu.memory_space<hbm>> -> memref<128xf32, #tpu.memory_space<hbm>>
        %dma_wait3A_266 = arith.constant 0 : i32
        %dma_wait3A_267 = tpu.memref_slice %arg15[%dma_wait3A_260, %dma_wait3A_266] : memref<2x128xf32, #tpu.memory_space<vmem>> -> memref<1x128xf32, #tpu.memory_space<vmem>>
        %dma_wait3A_268 = tpu.memref_squeeze %dma_wait3A_267 : memref<1x128xf32, #tpu.memory_space<vmem>> -> memref<128xf32, #tpu.memory_space<vmem>>
        tpu.wait_dma2 semaphore(%arg18 : memref<!tpu.dma_semaphore, #tpu.memory_space<semaphore_mem>>) src(%dma_wait3A_268 : memref<128xf32, #tpu.memory_space<vmem>>) dst(%dma_wait3A_265 : memref<128xf32, #tpu.memory_space<hbm>>)
      } else {
      }
      %eq3A_193 = arith.constant 1 : i32
      %eq3A_194 = arith.cmpi eq, %select_n3A_157, %eq3A_193 : i32
      %ge3A_195 = arith.constant 2 : i32
      %ge3A_196 = arith.cmpi sge, %scan3A_147, %ge3A_195 : i32
      %and3A_197 = arith.andi %eq3A_194, %ge3A_196 : i1
      %convert_element_type3A_198 = arith.extui %and3A_197 : i1 to i32
      %cond3A_199 = arith.constant 0 : i32
      %cond3A_200 = arith.cmpi ne, %convert_element_type3A_198, %cond3A_199 : i32
      scf.if %cond3A_200 {
        %sub3A = arith.constant 2 : i32
        %sub3A_254 = arith.subi %scan3A_147, %sub3A : i32
        %mul3A_255 = arith.constant 512 : i32
        %mul3A_256 = arith.muli %add3A, %mul3A_255 : i32
        %mul3A_257 = arith.constant 128 : i32
        %mul3A_258 = arith.muli %sub3A_254, %mul3A_257 : i32
        %add3A_259 = arith.addi %mul3A_256, %mul3A_258 : i32
        %dma_wait3A_260 = arith.constant 1 : i32
        %dma_wait3A_261 = arith.constant 0 : i32
        %dma_wait3A_262 = tpu.memref_slice %arg15[%dma_wait3A_260, %dma_wait3A_261] : memref<2x128xf32, #tpu.memory_space<vmem>> -> memref<1x128xf32, #tpu.memory_space<vmem>>
        %dma_wait3A_263 = tpu.memref_squeeze %dma_wait3A_262 : memref<1x128xf32, #tpu.memory_space<vmem>> -> memref<128xf32, #tpu.memory_space<vmem>>
        %dma_wait3A_264 = tpu.memref_slice %arg7[%add3A_259] : memref<16384xf32, #tpu.memory_space<hbm>> -> memref<128xf32, #tpu.memory_space<hbm>>
        %dma_wait3A_265 = tpu.memref_slice %arg7[%add3A_259] : memref<16384xf32, #tpu.memory_space<hbm>> -> memref<128xf32, #tpu.memory_space<hbm>>
        %dma_wait3A_266 = arith.constant 0 : i32
        %dma_wait3A_267 = tpu.memref_slice %arg15[%dma_wait3A_260, %dma_wait3A_266] : memref<2x128xf32, #tpu.memory_space<vmem>> -> memref<1x128xf32, #tpu.memory_space<vmem>>
        %dma_wait3A_268 = tpu.memref_squeeze %dma_wait3A_267 : memref<1x128xf32, #tpu.memory_space<vmem>> -> memref<128xf32, #tpu.memory_space<vmem>>
        tpu.wait_dma2 semaphore(%arg19 : memref<!tpu.dma_semaphore, #tpu.memory_space<semaphore_mem>>) src(%dma_wait3A_268 : memref<128xf32, #tpu.memory_space<vmem>>) dst(%dma_wait3A_265 : memref<128xf32, #tpu.memory_space<hbm>>)
      } else {
      }
      %iota3A = tpu.iota {dimensions = array<i32: 0>} : vector<16xi32>
      %broadcast_in_dim3A = arith.constant 0.000000e+00 : f32
      %broadcast_in_dim3A_201 = vector.broadcast %broadcast_in_dim3A : f32 to vector<16xf32>
      %swap3A = arith.index_cast %select_n3A_157 : i32 to index
      %swap3A_202 = arith.constant 0 : index
      %swap3A_203 = tpu.vector_load %arg15[%swap3A, %swap3A_202] {strides = array<i32>} : memref<2x128xf32, #tpu.memory_space<vmem>>, vector<1x16xf32>,
      %swap3A_204 = vector.shape_cast %swap3A_203 : vector<1x16xf32> to vector<16xf32>
      %swap3A_205 = vector.shape_cast %broadcast_in_dim3A_201 : vector<16xf32> to vector<1x16xf32>
      tpu.vector_store %arg15[%swap3A, %swap3A_202], %swap3A_205 {strides = array<i32>} : memref<2x128xf32, #tpu.memory_space<vmem>>, vector<1x16xf32>,
      %swap3A_206 = arith.index_cast %select_n3A_157 : i32 to index
      %swap3A_207 = arith.constant 16 : index
      %swap3A_208 = tpu.vector_load %arg15[%swap3A_206, %swap3A_207] {strides = array<i32>} : memref<2x128xf32, #tpu.memory_space<vmem>>, vector<1x16xf32>,
      %swap3A_209 = vector.shape_cast %swap3A_208 : vector<1x16xf32> to vector<16xf32>
      %swap3A_210 = vector.shape_cast %broadcast_in_dim3A_201 : vector<16xf32> to vector<1x16xf32>
      tpu.vector_store %arg15[%swap3A_206, %swap3A_207], %swap3A_210 {strides = array<i32>} : memref<2x128xf32, #tpu.memory_space<vmem>>, vector<1x16xf32>,
      %swap3A_211 = arith.index_cast %select_n3A_157 : i32 to index
      %swap3A_212 = arith.constant 32 : index
      %swap3A_213 = tpu.vector_load %arg15[%swap3A_211, %swap3A_212] {strides = array<i32>} : memref<2x128xf32, #tpu.memory_space<vmem>>, vector<1x16xf32>,
      %swap3A_214 = vector.shape_cast %swap3A_213 : vector<1x16xf32> to vector<16xf32>
      %swap3A_215 = vector.shape_cast %broadcast_in_dim3A_201 : vector<16xf32> to vector<1x16xf32>
      tpu.vector_store %arg15[%swap3A_211, %swap3A_212], %swap3A_215 {strides = array<i32>} : memref<2x128xf32, #tpu.memory_space<vmem>>, vector<1x16xf32>,
      %swap3A_216 = arith.index_cast %select_n3A_157 : i32 to index
      %swap3A_217 = arith.constant 48 : index
      %swap3A_218 = tpu.vector_load %arg15[%swap3A_216, %swap3A_217] {strides = array<i32>} : memref<2x128xf32, #tpu.memory_space<vmem>>, vector<1x16xf32>,
      %swap3A_219 = vector.shape_cast %swap3A_218 : vector<1x16xf32> to vector<16xf32>
      %swap3A_220 = vector.shape_cast %broadcast_in_dim3A_201 : vector<16xf32> to vector<1x16xf32>
      tpu.vector_store %arg15[%swap3A_216, %swap3A_217], %swap3A_220 {strides = array<i32>} : memref<2x128xf32, #tpu.memory_space<vmem>>, vector<1x16xf32>,
      %swap3A_221 = arith.index_cast %select_n3A_157 : i32 to index
      %swap3A_222 = arith.constant 64 : index
      %swap3A_223 = tpu.vector_load %arg15[%swap3A_221, %swap3A_222] {strides = array<i32>} : memref<2x128xf32, #tpu.memory_space<vmem>>, vector<1x16xf32>,
      %swap3A_224 = vector.shape_cast %swap3A_223 : vector<1x16xf32> to vector<16xf32>
      %swap3A_225 = vector.shape_cast %broadcast_in_dim3A_201 : vector<16xf32> to vector<1x16xf32>
      tpu.vector_store %arg15[%swap3A_221, %swap3A_222], %swap3A_225 {strides = array<i32>} : memref<2x128xf32, #tpu.memory_space<vmem>>, vector<1x16xf32>,
      %swap3A_226 = arith.index_cast %select_n3A_157 : i32 to index
      %swap3A_227 = arith.constant 80 : index
      %swap3A_228 = tpu.vector_load %arg15[%swap3A_226, %swap3A_227] {strides = array<i32>} : memref<2x128xf32, #tpu.memory_space<vmem>>, vector<1x16xf32>,
      %swap3A_229 = vector.shape_cast %swap3A_228 : vector<1x16xf32> to vector<16xf32>
      %swap3A_230 = vector.shape_cast %broadcast_in_dim3A_201 : vector<16xf32> to vector<1x16xf32>
      tpu.vector_store %arg15[%swap3A_226, %swap3A_227], %swap3A_230 {strides = array<i32>} : memref<2x128xf32, #tpu.memory_space<vmem>>, vector<1x16xf32>,
      %swap3A_231 = arith.index_cast %select_n3A_157 : i32 to index
      %swap3A_232 = arith.constant 96 : index
      %swap3A_233 = tpu.vector_load %arg15[%swap3A_231, %swap3A_232] {strides = array<i32>} : memref<2x128xf32, #tpu.memory_space<vmem>>, vector<1x16xf32>,
      %swap3A_234 = vector.shape_cast %swap3A_233 : vector<1x16xf32> to vector<16xf32>
      %swap3A_235 = vector.shape_cast %broadcast_in_dim3A_201 : vector<16xf32> to vector<1x16xf32>
      tpu.vector_store %arg15[%swap3A_231, %swap3A_232], %swap3A_235 {strides = array<i32>} : memref<2x128xf32, #tpu.memory_space<vmem>>, vector<1x16xf32>,
      %swap3A_236 = arith.index_cast %select_n3A_157 : i32 to index
      %swap3A_237 = arith.constant 112 : index
      %swap3A_238 = tpu.vector_load %arg15[%swap3A_236, %swap3A_237] {strides = array<i32>} : memref<2x128xf32, #tpu.memory_space<vmem>>, vector<1x16xf32>,
      %swap3A_239 = vector.shape_cast %swap3A_238 : vector<1x16xf32> to vector<16xf32>
      %swap3A_240 = vector.shape_cast %broadcast_in_dim3A_201 : vector<16xf32> to vector<1x16xf32>
      tpu.vector_store %arg15[%swap3A_236, %swap3A_237], %swap3A_240 {strides = array<i32>} : memref<2x128xf32, #tpu.memory_space<vmem>>, vector<1x16xf32>,
      %parallel_loop3A = arith.constant 0 : i32
      %parallel_loop3A_241 = arith.constant 128 : i32
      %parallel_loop3A_242 = arith.constant 1 : i32
      scf.for %parallel_loop3A_254 = %parallel_loop3A to %parallel_loop3A_241 step %parallel_loop3A_242  : i32 {
        %parallel_loop3A_255 = arith.constant 8 : i32
        %parallel_loop3A_256 = arith.constant 0 : i32
        %parallel_loop3A_257 = arith.cmpi eq, %parallel_loop3A_255, %parallel_loop3A_256 : i32
        %parallel_loop3A_258 = arith.constant 1 : i32
        %parallel_loop3A_259 = arith.select %parallel_loop3A_257, %parallel_loop3A_258, %parallel_loop3A_255 : i32
        %parallel_loop3A_260 = arith.remsi %parallel_loop3A_254, %parallel_loop3A_259 : i32
        %parallel_loop3A_261 = arith.constant 0 : i32
        %parallel_loop3A_262 = arith.cmpi ne, %parallel_loop3A_260, %parallel_loop3A_261 : i32
        %parallel_loop3A_263 = arith.constant 0 : i32
        %parallel_loop3A_264 = arith.cmpi slt, %parallel_loop3A_260, %parallel_loop3A_263 : i32
        %parallel_loop3A_265 = arith.constant 0 : i32
        %parallel_loop3A_266 = arith.cmpi slt, %parallel_loop3A_259, %parallel_loop3A_265 : i32
        %parallel_loop3A_267 = arith.xori %parallel_loop3A_264, %parallel_loop3A_266 : i1
        %parallel_loop3A_268 = arith.andi %parallel_loop3A_267, %parallel_loop3A_262 : i1
        %parallel_loop3A_269 = arith.addi %parallel_loop3A_260, %parallel_loop3A_259 : i32
        %parallel_loop3A_270 = arith.select %parallel_loop3A_268, %parallel_loop3A_269, %parallel_loop3A_260 : i32
        %parallel_loop3A_271 = arith.constant 16 : i32
        %parallel_loop3A_272 = arith.muli %parallel_loop3A_270, %parallel_loop3A_271 : i32
        %parallel_loop3A_273 = arith.constant 8 : i32
        %parallel_loop3A_274 = arith.divsi %parallel_loop3A_254, %parallel_loop3A_273 : i32
        %parallel_loop3A_275 = arith.constant 0 : i32
        %parallel_loop3A_276 = arith.cmpi sgt, %parallel_loop3A_254, %parallel_loop3A_275 : i32
        %parallel_loop3A_277 = arith.extui %parallel_loop3A_276 : i1 to i32
        %parallel_loop3A_278 = arith.constant 0 : i32
        %parallel_loop3A_279 = arith.cmpi slt, %parallel_loop3A_254, %parallel_loop3A_278 : i32
        %parallel_loop3A_280 = arith.extui %parallel_loop3A_279 : i1 to i32
        %parallel_loop3A_281 = arith.subi %parallel_loop3A_277, %parallel_loop3A_280 : i32
        %parallel_loop3A_282 = arith.constant 0 : i32
        %parallel_loop3A_283 = arith.cmpi sgt, %parallel_loop3A_273, %parallel_loop3A_282 : i32
        %parallel_loop3A_284 = arith.extui %parallel_loop3A_283 : i1 to i32
        %parallel_loop3A_285 = arith.constant 0 : i32
        %parallel_loop3A_286 = arith.cmpi slt, %parallel_loop3A_273, %parallel_loop3A_285 : i32
        %parallel_loop3A_287 = arith.extui %parallel_loop3A_286 : i1 to i32
        %parallel_loop3A_288 = arith.subi %parallel_loop3A_284, %parallel_loop3A_287 : i32
        %parallel_loop3A_289 = arith.cmpi ne, %parallel_loop3A_281, %parallel_loop3A_288 : i32
        %parallel_loop3A_290 = arith.remsi %parallel_loop3A_254, %parallel_loop3A_273 : i32
        %parallel_loop3A_291 = arith.constant 0 : i32
        %parallel_loop3A_292 = arith.cmpi ne, %parallel_loop3A_290, %parallel_loop3A_291 : i32
        %parallel_loop3A_293 = arith.andi %parallel_loop3A_289, %parallel_loop3A_292 : i1
        %parallel_loop3A_294 = arith.constant 1 : i32
        %parallel_loop3A_295 = arith.subi %parallel_loop3A_274, %parallel_loop3A_294 : i32
        %parallel_loop3A_296 = arith.select %parallel_loop3A_293, %parallel_loop3A_295, %parallel_loop3A_274 : i32
        %parallel_loop3A_297 = arith.addi %parallel_loop3A_272, %parallel_loop3A_296 : i32
        %parallel_loop3A_298 = arith.constant 0.000000e+00 : f32
        %parallel_loop3A_299 = vector.broadcast %parallel_loop3A_298 : f32 to vector<16xf32>
        %parallel_loop3A_300 = arith.index_cast %select_n3A_157 : i32 to index
        %parallel_loop3A_301 = arith.index_cast %parallel_loop3A_297 : i32 to index
        %parallel_loop3A_302 = arith.constant 0 : index
        %parallel_loop3A_303 = tpu.vector_load %arg11[%parallel_loop3A_300, %parallel_loop3A_301, %parallel_loop3A_302] {strides = array<i32>} : memref<2x128x128xf32, #tpu.memory_space<vmem>>, vector<1x1x16xf32>,
        %parallel_loop3A_304 = vector.shape_cast %parallel_loop3A_303 : vector<1x1x16xf32> to vector<16xf32>
        %parallel_loop3A_305 = arith.index_cast %select_n3A_157 : i32 to index
        %parallel_loop3A_306 = arith.index_cast %parallel_loop3A_297 : i32 to index
        %parallel_loop3A_307 = arith.constant 32 : index
        %parallel_loop3A_308 = tpu.vector_load %arg11[%parallel_loop3A_305, %parallel_loop3A_306, %parallel_loop3A_307] {strides = array<i32>} : memref<2x128x128xf32, #tpu.memory_space<vmem>>, vector<1x1x16xf32>,
        %parallel_loop3A_309 = vector.shape_cast %parallel_loop3A_308 : vector<1x1x16xf32> to vector<16xf32>
        %parallel_loop3A_310 = arith.index_cast %select_n3A_157 : i32 to index
        %parallel_loop3A_311 = arith.index_cast %parallel_loop3A_297 : i32 to index
        %parallel_loop3A_312 = arith.constant 64 : index
        %parallel_loop3A_313 = tpu.vector_load %arg11[%parallel_loop3A_310, %parallel_loop3A_311, %parallel_loop3A_312] {strides = array<i32>} : memref<2x128x128xf32, #tpu.memory_space<vmem>>, vector<1x1x16xf32>,
        %parallel_loop3A_314 = vector.shape_cast %parallel_loop3A_313 : vector<1x1x16xf32> to vector<16xf32>
        %parallel_loop3A_315 = arith.index_cast %select_n3A_157 : i32 to index
        %parallel_loop3A_316 = arith.index_cast %parallel_loop3A_297 : i32 to index
        %parallel_loop3A_317 = arith.constant 96 : index
        %parallel_loop3A_318 = tpu.vector_load %arg11[%parallel_loop3A_315, %parallel_loop3A_316, %parallel_loop3A_317] {strides = array<i32>} : memref<2x128x128xf32, #tpu.memory_space<vmem>>, vector<1x1x16xf32>,
        %parallel_loop3A_319 = vector.shape_cast %parallel_loop3A_318 : vector<1x1x16xf32> to vector<16xf32>
        %parallel_loop3A_320 = arith.index_cast %select_n3A_157 : i32 to index
        %parallel_loop3A_321 = arith.index_cast %parallel_loop3A_297 : i32 to index
        %parallel_loop3A_322 = arith.constant 0 : index
        %parallel_loop3A_323 = tpu.vector_load %arg12[%parallel_loop3A_320, %parallel_loop3A_321, %parallel_loop3A_322] {strides = array<i32>} : memref<2x128x128xf32, #tpu.memory_space<vmem>>, vector<1x1x16xf32>,
        %parallel_loop3A_324 = vector.shape_cast %parallel_loop3A_323 : vector<1x1x16xf32> to vector<16xf32>
        %parallel_loop3A_325 = arith.index_cast %select_n3A_157 : i32 to index
        %parallel_loop3A_326 = arith.index_cast %parallel_loop3A_297 : i32 to index
        %parallel_loop3A_327 = arith.constant 32 : index
        %parallel_loop3A_328 = tpu.vector_load %arg12[%parallel_loop3A_325, %parallel_loop3A_326, %parallel_loop3A_327] {strides = array<i32>} : memref<2x128x128xf32, #tpu.memory_space<vmem>>, vector<1x1x16xf32>,
        %parallel_loop3A_329 = vector.shape_cast %parallel_loop3A_328 : vector<1x1x16xf32> to vector<16xf32>
        %parallel_loop3A_330 = arith.index_cast %select_n3A_157 : i32 to index
        %parallel_loop3A_331 = arith.index_cast %parallel_loop3A_297 : i32 to index
        %parallel_loop3A_332 = arith.constant 64 : index
        %parallel_loop3A_333 = tpu.vector_load %arg12[%parallel_loop3A_330, %parallel_loop3A_331, %parallel_loop3A_332] {strides = array<i32>} : memref<2x128x128xf32, #tpu.memory_space<vmem>>, vector<1x1x16xf32>,
        %parallel_loop3A_334 = vector.shape_cast %parallel_loop3A_333 : vector<1x1x16xf32> to vector<16xf32>
        %parallel_loop3A_335 = arith.index_cast %select_n3A_157 : i32 to index
        %parallel_loop3A_336 = arith.index_cast %parallel_loop3A_297 : i32 to index
        %parallel_loop3A_337 = arith.constant 96 : index
        %parallel_loop3A_338 = tpu.vector_load %arg12[%parallel_loop3A_335, %parallel_loop3A_336, %parallel_loop3A_337] {strides = array<i32>} : memref<2x128x128xf32, #tpu.memory_space<vmem>>, vector<1x1x16xf32>,
        %parallel_loop3A_339 = vector.shape_cast %parallel_loop3A_338 : vector<1x1x16xf32> to vector<16xf32>
        %parallel_loop3A_340 = arith.index_cast %select_n3A_157 : i32 to index
        %parallel_loop3A_341 = arith.index_cast %parallel_loop3A_297 : i32 to index
        %parallel_loop3A_342 = arith.constant 0 : index
        %parallel_loop3A_343 = tpu.vector_load %arg13[%parallel_loop3A_340, %parallel_loop3A_341, %parallel_loop3A_342] {strides = array<i32>} : memref<2x128x128xf32, #tpu.memory_space<vmem>>, vector<1x1x16xf32>,
        %parallel_loop3A_344 = vector.shape_cast %parallel_loop3A_343 : vector<1x1x16xf32> to vector<16xf32>
        %parallel_loop3A_345 = arith.index_cast %select_n3A_157 : i32 to index
        %parallel_loop3A_346 = arith.index_cast %parallel_loop3A_297 : i32 to index
        %parallel_loop3A_347 = arith.constant 32 : index
        %parallel_loop3A_348 = tpu.vector_load %arg13[%parallel_loop3A_345, %parallel_loop3A_346, %parallel_loop3A_347] {strides = array<i32>} : memref<2x128x128xf32, #tpu.memory_space<vmem>>, vector<1x1x16xf32>,
        %parallel_loop3A_349 = vector.shape_cast %parallel_loop3A_348 : vector<1x1x16xf32> to vector<16xf32>
        %parallel_loop3A_350 = arith.index_cast %select_n3A_157 : i32 to index
        %parallel_loop3A_351 = arith.index_cast %parallel_loop3A_297 : i32 to index
        %parallel_loop3A_352 = arith.constant 64 : index
        %parallel_loop3A_353 = tpu.vector_load %arg13[%parallel_loop3A_350, %parallel_loop3A_351, %parallel_loop3A_352] {strides = array<i32>} : memref<2x128x128xf32, #tpu.memory_space<vmem>>, vector<1x1x16xf32>,
        %parallel_loop3A_354 = vector.shape_cast %parallel_loop3A_353 : vector<1x1x16xf32> to vector<16xf32>
        %parallel_loop3A_355 = arith.index_cast %select_n3A_157 : i32 to index
        %parallel_loop3A_356 = arith.index_cast %parallel_loop3A_297 : i32 to index
        %parallel_loop3A_357 = arith.constant 96 : index
        %parallel_loop3A_358 = tpu.vector_load %arg13[%parallel_loop3A_355, %parallel_loop3A_356, %parallel_loop3A_357] {strides = array<i32>} : memref<2x128x128xf32, #tpu.memory_space<vmem>>, vector<1x1x16xf32>,
        %parallel_loop3A_359 = vector.shape_cast %parallel_loop3A_358 : vector<1x1x16xf32> to vector<16xf32>
        %parallel_loop3A_360 = arith.mulf %parallel_loop3A_324, %parallel_loop3A_344 : vector<16xf32>
        %parallel_loop3A_361 = arith.mulf %parallel_loop3A_329, %parallel_loop3A_349 : vector<16xf32>
        %parallel_loop3A_362 = arith.addf %parallel_loop3A_360, %parallel_loop3A_361 : vector<16xf32>
        %parallel_loop3A_363 = arith.mulf %parallel_loop3A_334, %parallel_loop3A_354 : vector<16xf32>
        %parallel_loop3A_364 = arith.addf %parallel_loop3A_362, %parallel_loop3A_363 : vector<16xf32>
        %parallel_loop3A_365 = arith.mulf %parallel_loop3A_339, %parallel_loop3A_359 : vector<16xf32>
        %parallel_loop3A_366 = arith.addf %parallel_loop3A_364, %parallel_loop3A_365 : vector<16xf32>
        %parallel_loop3A_367 = arith.mulf %parallel_loop3A_324, %parallel_loop3A_349 : vector<16xf32>
        %parallel_loop3A_368 = arith.mulf %parallel_loop3A_329, %parallel_loop3A_344 : vector<16xf32>
        %parallel_loop3A_369 = arith.subf %parallel_loop3A_367, %parallel_loop3A_368 : vector<16xf32>
        %parallel_loop3A_370 = arith.mulf %parallel_loop3A_334, %parallel_loop3A_359 : vector<16xf32>
        %parallel_loop3A_371 = arith.addf %parallel_loop3A_369, %parallel_loop3A_370 : vector<16xf32>
        %parallel_loop3A_372 = arith.mulf %parallel_loop3A_339, %parallel_loop3A_354 : vector<16xf32>
        %parallel_loop3A_373 = arith.subf %parallel_loop3A_371, %parallel_loop3A_372 : vector<16xf32>
        %parallel_loop3A_374 = arith.mulf %parallel_loop3A_324, %parallel_loop3A_354 : vector<16xf32>
        %parallel_loop3A_375 = arith.mulf %parallel_loop3A_329, %parallel_loop3A_359 : vector<16xf32>
        %parallel_loop3A_376 = arith.subf %parallel_loop3A_374, %parallel_loop3A_375 : vector<16xf32>
        %parallel_loop3A_377 = arith.mulf %parallel_loop3A_334, %parallel_loop3A_344 : vector<16xf32>
        %parallel_loop3A_378 = arith.subf %parallel_loop3A_376, %parallel_loop3A_377 : vector<16xf32>
        %parallel_loop3A_379 = arith.mulf %parallel_loop3A_339, %parallel_loop3A_349 : vector<16xf32>
        %parallel_loop3A_380 = arith.addf %parallel_loop3A_378, %parallel_loop3A_379 : vector<16xf32>
        %parallel_loop3A_381 = arith.mulf %parallel_loop3A_324, %parallel_loop3A_359 : vector<16xf32>
        %parallel_loop3A_382 = arith.mulf %parallel_loop3A_329, %parallel_loop3A_354 : vector<16xf32>
        %parallel_loop3A_383 = arith.addf %parallel_loop3A_381, %parallel_loop3A_382 : vector<16xf32>
        %parallel_loop3A_384 = arith.mulf %parallel_loop3A_334, %parallel_loop3A_349 : vector<16xf32>
        %parallel_loop3A_385 = arith.subf %parallel_loop3A_383, %parallel_loop3A_384 : vector<16xf32>
        %parallel_loop3A_386 = arith.mulf %parallel_loop3A_339, %parallel_loop3A_344 : vector<16xf32>
        %parallel_loop3A_387 = arith.subf %parallel_loop3A_385, %parallel_loop3A_386 : vector<16xf32>
        %parallel_loop3A_388 = arith.mulf %parallel_loop3A_304, %parallel_loop3A_366 : vector<16xf32>
        %parallel_loop3A_389 = arith.addf %parallel_loop3A_299, %parallel_loop3A_388 : vector<16xf32>
        %parallel_loop3A_390 = arith.mulf %parallel_loop3A_309, %parallel_loop3A_373 : vector<16xf32>
        %parallel_loop3A_391 = arith.addf %parallel_loop3A_389, %parallel_loop3A_390 : vector<16xf32>
        %parallel_loop3A_392 = arith.mulf %parallel_loop3A_314, %parallel_loop3A_380 : vector<16xf32>
        %parallel_loop3A_393 = arith.addf %parallel_loop3A_391, %parallel_loop3A_392 : vector<16xf32>
        %parallel_loop3A_394 = arith.mulf %parallel_loop3A_319, %parallel_loop3A_387 : vector<16xf32>
        %parallel_loop3A_395 = arith.addf %parallel_loop3A_393, %parallel_loop3A_394 : vector<16xf32>
        %parallel_loop3A_396 = arith.index_cast %select_n3A_157 : i32 to index
        %parallel_loop3A_397 = arith.index_cast %parallel_loop3A_297 : i32 to index
        %parallel_loop3A_398 = arith.constant 16 : index
        %parallel_loop3A_399 = tpu.vector_load %arg11[%parallel_loop3A_396, %parallel_loop3A_397, %parallel_loop3A_398] {strides = array<i32>} : memref<2x128x128xf32, #tpu.memory_space<vmem>>, vector<1x1x16xf32>,
        %parallel_loop3A_400 = vector.shape_cast %parallel_loop3A_399 : vector<1x1x16xf32> to vector<16xf32>
        %parallel_loop3A_401 = arith.index_cast %select_n3A_157 : i32 to index
        %parallel_loop3A_402 = arith.index_cast %parallel_loop3A_297 : i32 to index
        %parallel_loop3A_403 = arith.constant 48 : index
        %parallel_loop3A_404 = tpu.vector_load %arg11[%parallel_loop3A_401, %parallel_loop3A_402, %parallel_loop3A_403] {strides = array<i32>} : memref<2x128x128xf32, #tpu.memory_space<vmem>>, vector<1x1x16xf32>,
        %parallel_loop3A_405 = vector.shape_cast %parallel_loop3A_404 : vector<1x1x16xf32> to vector<16xf32>
        %parallel_loop3A_406 = arith.index_cast %select_n3A_157 : i32 to index
        %parallel_loop3A_407 = arith.index_cast %parallel_loop3A_297 : i32 to index
        %parallel_loop3A_408 = arith.constant 80 : index
        %parallel_loop3A_409 = tpu.vector_load %arg11[%parallel_loop3A_406, %parallel_loop3A_407, %parallel_loop3A_408] {strides = array<i32>} : memref<2x128x128xf32, #tpu.memory_space<vmem>>, vector<1x1x16xf32>,
        %parallel_loop3A_410 = vector.shape_cast %parallel_loop3A_409 : vector<1x1x16xf32> to vector<16xf32>
        %parallel_loop3A_411 = arith.index_cast %select_n3A_157 : i32 to index
        %parallel_loop3A_412 = arith.index_cast %parallel_loop3A_297 : i32 to index
        %parallel_loop3A_413 = arith.constant 112 : index
        %parallel_loop3A_414 = tpu.vector_load %arg11[%parallel_loop3A_411, %parallel_loop3A_412, %parallel_loop3A_413] {strides = array<i32>} : memref<2x128x128xf32, #tpu.memory_space<vmem>>, vector<1x1x16xf32>,
        %parallel_loop3A_415 = vector.shape_cast %parallel_loop3A_414 : vector<1x1x16xf32> to vector<16xf32>
        %parallel_loop3A_416 = arith.index_cast %select_n3A_157 : i32 to index
        %parallel_loop3A_417 = arith.index_cast %parallel_loop3A_297 : i32 to index
        %parallel_loop3A_418 = arith.constant 16 : index
        %parallel_loop3A_419 = tpu.vector_load %arg12[%parallel_loop3A_416, %parallel_loop3A_417, %parallel_loop3A_418] {strides = array<i32>} : memref<2x128x128xf32, #tpu.memory_space<vmem>>, vector<1x1x16xf32>,
        %parallel_loop3A_420 = vector.shape_cast %parallel_loop3A_419 : vector<1x1x16xf32> to vector<16xf32>
        %parallel_loop3A_421 = arith.index_cast %select_n3A_157 : i32 to index
        %parallel_loop3A_422 = arith.index_cast %parallel_loop3A_297 : i32 to index
        %parallel_loop3A_423 = arith.constant 48 : index
        %parallel_loop3A_424 = tpu.vector_load %arg12[%parallel_loop3A_421, %parallel_loop3A_422, %parallel_loop3A_423] {strides = array<i32>} : memref<2x128x128xf32, #tpu.memory_space<vmem>>, vector<1x1x16xf32>,
        %parallel_loop3A_425 = vector.shape_cast %parallel_loop3A_424 : vector<1x1x16xf32> to vector<16xf32>
        %parallel_loop3A_426 = arith.index_cast %select_n3A_157 : i32 to index
        %parallel_loop3A_427 = arith.index_cast %parallel_loop3A_297 : i32 to index
        %parallel_loop3A_428 = arith.constant 80 : index
        %parallel_loop3A_429 = tpu.vector_load %arg12[%parallel_loop3A_426, %parallel_loop3A_427, %parallel_loop3A_428] {strides = array<i32>} : memref<2x128x128xf32, #tpu.memory_space<vmem>>, vector<1x1x16xf32>,
        %parallel_loop3A_430 = vector.shape_cast %parallel_loop3A_429 : vector<1x1x16xf32> to vector<16xf32>
        %parallel_loop3A_431 = arith.index_cast %select_n3A_157 : i32 to index
        %parallel_loop3A_432 = arith.index_cast %parallel_loop3A_297 : i32 to index
        %parallel_loop3A_433 = arith.constant 112 : index
        %parallel_loop3A_434 = tpu.vector_load %arg12[%parallel_loop3A_431, %parallel_loop3A_432, %parallel_loop3A_433] {strides = array<i32>} : memref<2x128x128xf32, #tpu.memory_space<vmem>>, vector<1x1x16xf32>,
        %parallel_loop3A_435 = vector.shape_cast %parallel_loop3A_434 : vector<1x1x16xf32> to vector<16xf32>
        %parallel_loop3A_436 = arith.index_cast %select_n3A_157 : i32 to index
        %parallel_loop3A_437 = arith.index_cast %parallel_loop3A_297 : i32 to index
        %parallel_loop3A_438 = arith.constant 16 : index
        %parallel_loop3A_439 = tpu.vector_load %arg13[%parallel_loop3A_436, %parallel_loop3A_437, %parallel_loop3A_438] {strides = array<i32>} : memref<2x128x128xf32, #tpu.memory_space<vmem>>, vector<1x1x16xf32>,
        %parallel_loop3A_440 = vector.shape_cast %parallel_loop3A_439 : vector<1x1x16xf32> to vector<16xf32>
        %parallel_loop3A_441 = arith.index_cast %select_n3A_157 : i32 to index
        %parallel_loop3A_442 = arith.index_cast %parallel_loop3A_297 : i32 to index
        %parallel_loop3A_443 = arith.constant 48 : index
        %parallel_loop3A_444 = tpu.vector_load %arg13[%parallel_loop3A_441, %parallel_loop3A_442, %parallel_loop3A_443] {strides = array<i32>} : memref<2x128x128xf32, #tpu.memory_space<vmem>>, vector<1x1x16xf32>,
        %parallel_loop3A_445 = vector.shape_cast %parallel_loop3A_444 : vector<1x1x16xf32> to vector<16xf32>
        %parallel_loop3A_446 = arith.index_cast %select_n3A_157 : i32 to index
        %parallel_loop3A_447 = arith.index_cast %parallel_loop3A_297 : i32 to index
        %parallel_loop3A_448 = arith.constant 80 : index
        %parallel_loop3A_449 = tpu.vector_load %arg13[%parallel_loop3A_446, %parallel_loop3A_447, %parallel_loop3A_448] {strides = array<i32>} : memref<2x128x128xf32, #tpu.memory_space<vmem>>, vector<1x1x16xf32>,
        %parallel_loop3A_450 = vector.shape_cast %parallel_loop3A_449 : vector<1x1x16xf32> to vector<16xf32>
        %parallel_loop3A_451 = arith.index_cast %select_n3A_157 : i32 to index
        %parallel_loop3A_452 = arith.index_cast %parallel_loop3A_297 : i32 to index
        %parallel_loop3A_453 = arith.constant 112 : index
        %parallel_loop3A_454 = tpu.vector_load %arg13[%parallel_loop3A_451, %parallel_loop3A_452, %parallel_loop3A_453] {strides = array<i32>} : memref<2x128x128xf32, #tpu.memory_space<vmem>>, vector<1x1x16xf32>,
        %parallel_loop3A_455 = vector.shape_cast %parallel_loop3A_454 : vector<1x1x16xf32> to vector<16xf32>
        %parallel_loop3A_456 = arith.mulf %parallel_loop3A_420, %parallel_loop3A_440 : vector<16xf32>
        %parallel_loop3A_457 = arith.mulf %parallel_loop3A_425, %parallel_loop3A_445 : vector<16xf32>
        %parallel_loop3A_458 = arith.addf %parallel_loop3A_456, %parallel_loop3A_457 : vector<16xf32>
        %parallel_loop3A_459 = arith.mulf %parallel_loop3A_430, %parallel_loop3A_450 : vector<16xf32>
        %parallel_loop3A_460 = arith.addf %parallel_loop3A_458, %parallel_loop3A_459 : vector<16xf32>
        %parallel_loop3A_461 = arith.mulf %parallel_loop3A_435, %parallel_loop3A_455 : vector<16xf32>
        %parallel_loop3A_462 = arith.addf %parallel_loop3A_460, %parallel_loop3A_461 : vector<16xf32>
        %parallel_loop3A_463 = arith.mulf %parallel_loop3A_420, %parallel_loop3A_445 : vector<16xf32>
        %parallel_loop3A_464 = arith.mulf %parallel_loop3A_425, %parallel_loop3A_440 : vector<16xf32>
        %parallel_loop3A_465 = arith.subf %parallel_loop3A_463, %parallel_loop3A_464 : vector<16xf32>
        %parallel_loop3A_466 = arith.mulf %parallel_loop3A_430, %parallel_loop3A_455 : vector<16xf32>
        %parallel_loop3A_467 = arith.addf %parallel_loop3A_465, %parallel_loop3A_466 : vector<16xf32>
        %parallel_loop3A_468 = arith.mulf %parallel_loop3A_435, %parallel_loop3A_450 : vector<16xf32>
        %parallel_loop3A_469 = arith.subf %parallel_loop3A_467, %parallel_loop3A_468 : vector<16xf32>
        %parallel_loop3A_470 = arith.mulf %parallel_loop3A_420, %parallel_loop3A_450 : vector<16xf32>
        %parallel_loop3A_471 = arith.mulf %parallel_loop3A_425, %parallel_loop3A_455 : vector<16xf32>
        %parallel_loop3A_472 = arith.subf %parallel_loop3A_470, %parallel_loop3A_471 : vector<16xf32>
        %parallel_loop3A_473 = arith.mulf %parallel_loop3A_430, %parallel_loop3A_440 : vector<16xf32>
        %parallel_loop3A_474 = arith.subf %parallel_loop3A_472, %parallel_loop3A_473 : vector<16xf32>
        %parallel_loop3A_475 = arith.mulf %parallel_loop3A_435, %parallel_loop3A_445 : vector<16xf32>
        %parallel_loop3A_476 = arith.addf %parallel_loop3A_474, %parallel_loop3A_475 : vector<16xf32>
        %parallel_loop3A_477 = arith.mulf %parallel_loop3A_420, %parallel_loop3A_455 : vector<16xf32>
        %parallel_loop3A_478 = arith.mulf %parallel_loop3A_425, %parallel_loop3A_450 : vector<16xf32>
        %parallel_loop3A_479 = arith.addf %parallel_loop3A_477, %parallel_loop3A_478 : vector<16xf32>
        %parallel_loop3A_480 = arith.mulf %parallel_loop3A_430, %parallel_loop3A_445 : vector<16xf32>
        %parallel_loop3A_481 = arith.subf %parallel_loop3A_479, %parallel_loop3A_480 : vector<16xf32>
        %parallel_loop3A_482 = arith.mulf %parallel_loop3A_435, %parallel_loop3A_440 : vector<16xf32>
        %parallel_loop3A_483 = arith.subf %parallel_loop3A_481, %parallel_loop3A_482 : vector<16xf32>
        %parallel_loop3A_484 = arith.mulf %parallel_loop3A_400, %parallel_loop3A_462 : vector<16xf32>
        %parallel_loop3A_485 = arith.addf %parallel_loop3A_395, %parallel_loop3A_484 : vector<16xf32>
        %parallel_loop3A_486 = arith.mulf %parallel_loop3A_405, %parallel_loop3A_469 : vector<16xf32>
        %parallel_loop3A_487 = arith.addf %parallel_loop3A_485, %parallel_loop3A_486 : vector<16xf32>
        %parallel_loop3A_488 = arith.mulf %parallel_loop3A_410, %parallel_loop3A_476 : vector<16xf32>
        %parallel_loop3A_489 = arith.addf %parallel_loop3A_487, %parallel_loop3A_488 : vector<16xf32>
        %parallel_loop3A_490 = arith.mulf %parallel_loop3A_415, %parallel_loop3A_483 : vector<16xf32>
        %parallel_loop3A_491 = arith.addf %parallel_loop3A_489, %parallel_loop3A_490 : vector<16xf32>
        %parallel_loop3A_492 = arith.index_cast %parallel_loop3A_254 : i32 to index
        %parallel_loop3A_493 = arith.constant 0 : index
        %parallel_loop3A_494 = tpu.vector_load %arg14[%parallel_loop3A_492, %parallel_loop3A_493] {strides = array<i32>} : memref<128x32xf32, #tpu.memory_space<vmem>>, vector<1x16xf32>,
        %parallel_loop3A_495 = vector.shape_cast %parallel_loop3A_494 : vector<1x16xf32> to vector<16xf32>
        %parallel_loop3A_496 = vector.shape_cast %parallel_loop3A_491 : vector<16xf32> to vector<1x16xf32>
        tpu.vector_store %arg14[%parallel_loop3A_492, %parallel_loop3A_493], %parallel_loop3A_496 {strides = array<i32>} : memref<128x32xf32, #tpu.memory_space<vmem>>, vector<1x16xf32>,
        %parallel_loop3A_497 = arith.index_cast %parallel_loop3A_254 : i32 to index
        %parallel_loop3A_498 = arith.constant 8 : index
        %parallel_loop3A_499 = tpu.vector_load %arg14[%parallel_loop3A_497, %parallel_loop3A_498] {strides = array<i32>} : memref<128x32xf32, #tpu.memory_space<vmem>>, vector<1x16xf32>,
        %parallel_loop3A_500 = vector.shape_cast %parallel_loop3A_499 : vector<1x16xf32> to vector<16xf32>
        %parallel_loop3A_501 = arith.addf %parallel_loop3A_491, %parallel_loop3A_500 : vector<16xf32>
        %parallel_loop3A_502 = vector.extract_strided_slice %parallel_loop3A_501 {offsets = [0], sizes = [1], strides = [1]} : vector<16xf32> to vector<1xf32>
        %parallel_loop3A_503 = vector.extract %parallel_loop3A_502[0] : f32 from vector<1xf32>
        %parallel_loop3A_504 = vector.extract_strided_slice %parallel_loop3A_501 {offsets = [1], sizes = [1], strides = [1]} : vector<16xf32> to vector<1xf32>
        %parallel_loop3A_505 = vector.extract %parallel_loop3A_504[0] : f32 from vector<1xf32>
        %parallel_loop3A_506 = arith.addf %parallel_loop3A_503, %parallel_loop3A_505 : f32
        %parallel_loop3A_507 = vector.extract_strided_slice %parallel_loop3A_501 {offsets = [2], sizes = [1], strides = [1]} : vector<16xf32> to vector<1xf32>
        %parallel_loop3A_508 = vector.extract %parallel_loop3A_507[0] : f32 from vector<1xf32>
        %parallel_loop3A_509 = arith.addf %parallel_loop3A_506, %parallel_loop3A_508 : f32
        %parallel_loop3A_510 = vector.extract_strided_slice %parallel_loop3A_501 {offsets = [3], sizes = [1], strides = [1]} : vector<16xf32> to vector<1xf32>
        %parallel_loop3A_511 = vector.extract %parallel_loop3A_510[0] : f32 from vector<1xf32>
        %parallel_loop3A_512 = arith.addf %parallel_loop3A_509, %parallel_loop3A_511 : f32
        %parallel_loop3A_513 = vector.extract_strided_slice %parallel_loop3A_501 {offsets = [4], sizes = [1], strides = [1]} : vector<16xf32> to vector<1xf32>
        %parallel_loop3A_514 = vector.extract %parallel_loop3A_513[0] : f32 from vector<1xf32>
        %parallel_loop3A_515 = arith.addf %parallel_loop3A_512, %parallel_loop3A_514 : f32
        %parallel_loop3A_516 = vector.extract_strided_slice %parallel_loop3A_501 {offsets = [5], sizes = [1], strides = [1]} : vector<16xf32> to vector<1xf32>
        %parallel_loop3A_517 = vector.extract %parallel_loop3A_516[0] : f32 from vector<1xf32>
        %parallel_loop3A_518 = arith.addf %parallel_loop3A_515, %parallel_loop3A_517 : f32
        %parallel_loop3A_519 = vector.extract_strided_slice %parallel_loop3A_501 {offsets = [6], sizes = [1], strides = [1]} : vector<16xf32> to vector<1xf32>
        %parallel_loop3A_520 = vector.extract %parallel_loop3A_519[0] : f32 from vector<1xf32>
        %parallel_loop3A_521 = arith.addf %parallel_loop3A_518, %parallel_loop3A_520 : f32
        %parallel_loop3A_522 = vector.extract_strided_slice %parallel_loop3A_501 {offsets = [7], sizes = [1], strides = [1]} : vector<16xf32> to vector<1xf32>
        %parallel_loop3A_523 = vector.extract %parallel_loop3A_522[0] : f32 from vector<1xf32>
        %parallel_loop3A_524 = arith.addf %parallel_loop3A_521, %parallel_loop3A_523 : f32
        %parallel_loop3A_525 = arith.constant 8 : i32
        %parallel_loop3A_526 = arith.constant 0 : i32
        %parallel_loop3A_527 = arith.cmpi eq, %parallel_loop3A_525, %parallel_loop3A_526 : i32
        %parallel_loop3A_528 = arith.constant 1 : i32
        %parallel_loop3A_529 = arith.select %parallel_loop3A_527, %parallel_loop3A_528, %parallel_loop3A_525 : i32
        %parallel_loop3A_530 = arith.remsi %parallel_loop3A_254, %parallel_loop3A_529 : i32
        %parallel_loop3A_531 = arith.constant 0 : i32
        %parallel_loop3A_532 = arith.cmpi ne, %parallel_loop3A_530, %parallel_loop3A_531 : i32
        %parallel_loop3A_533 = arith.constant 0 : i32
        %parallel_loop3A_534 = arith.cmpi slt, %parallel_loop3A_530, %parallel_loop3A_533 : i32
        %parallel_loop3A_535 = arith.constant 0 : i32
        %parallel_loop3A_536 = arith.cmpi slt, %parallel_loop3A_529, %parallel_loop3A_535 : i32
        %parallel_loop3A_537 = arith.xori %parallel_loop3A_534, %parallel_loop3A_536 : i1
        %parallel_loop3A_538 = arith.andi %parallel_loop3A_537, %parallel_loop3A_532 : i1
        %parallel_loop3A_539 = arith.addi %parallel_loop3A_530, %parallel_loop3A_529 : i32
        %parallel_loop3A_540 = arith.select %parallel_loop3A_538, %parallel_loop3A_539, %parallel_loop3A_530 : i32
        %parallel_loop3A_541 = arith.constant 16 : i32
        %parallel_loop3A_542 = arith.muli %parallel_loop3A_540, %parallel_loop3A_541 : i32
        %parallel_loop3A_543 = arith.constant 8 : i32
        %parallel_loop3A_544 = arith.divsi %parallel_loop3A_254, %parallel_loop3A_543 : i32
        %parallel_loop3A_545 = arith.constant 0 : i32
        %parallel_loop3A_546 = arith.cmpi sgt, %parallel_loop3A_254, %parallel_loop3A_545 : i32
        %parallel_loop3A_547 = arith.extui %parallel_loop3A_546 : i1 to i32
        %parallel_loop3A_548 = arith.constant 0 : i32
        %parallel_loop3A_549 = arith.cmpi slt, %parallel_loop3A_254, %parallel_loop3A_548 : i32
        %parallel_loop3A_550 = arith.extui %parallel_loop3A_549 : i1 to i32
        %parallel_loop3A_551 = arith.subi %parallel_loop3A_547, %parallel_loop3A_550 : i32
        %parallel_loop3A_552 = arith.constant 0 : i32
        %parallel_loop3A_553 = arith.cmpi sgt, %parallel_loop3A_543, %parallel_loop3A_552 : i32
        %parallel_loop3A_554 = arith.extui %parallel_loop3A_553 : i1 to i32
        %parallel_loop3A_555 = arith.constant 0 : i32
        %parallel_loop3A_556 = arith.cmpi slt, %parallel_loop3A_543, %parallel_loop3A_555 : i32
        %parallel_loop3A_557 = arith.extui %parallel_loop3A_556 : i1 to i32
        %parallel_loop3A_558 = arith.subi %parallel_loop3A_554, %parallel_loop3A_557 : i32
        %parallel_loop3A_559 = arith.cmpi ne, %parallel_loop3A_551, %parallel_loop3A_558 : i32
        %parallel_loop3A_560 = arith.remsi %parallel_loop3A_254, %parallel_loop3A_543 : i32
        %parallel_loop3A_561 = arith.constant 0 : i32
        %parallel_loop3A_562 = arith.cmpi ne, %parallel_loop3A_560, %parallel_loop3A_561 : i32
        %parallel_loop3A_563 = arith.andi %parallel_loop3A_559, %parallel_loop3A_562 : i1
        %parallel_loop3A_564 = arith.constant 1 : i32
        %parallel_loop3A_565 = arith.subi %parallel_loop3A_544, %parallel_loop3A_564 : i32
        %parallel_loop3A_566 = arith.select %parallel_loop3A_563, %parallel_loop3A_565, %parallel_loop3A_544 : i32
        %parallel_loop3A_567 = vector.broadcast %parallel_loop3A_566 : i32 to vector<16xi32>
        %parallel_loop3A_568 = arith.cmpi eq, %iota3A, %parallel_loop3A_567 : vector<16xi32>
        %parallel_loop3A_569 = arith.constant 0.000000e+00 : f32
        %parallel_loop3A_570 = vector.broadcast %parallel_loop3A_524 : f32 to vector<16xf32>
        %parallel_loop3A_571 = vector.broadcast %parallel_loop3A_569 : f32 to vector<16xf32>
        %parallel_loop3A_572 = arith.select %parallel_loop3A_568, %parallel_loop3A_570, %parallel_loop3A_571 : vector<16xi1>, vector<16xf32>
        %parallel_loop3A_573 = arith.index_cast %select_n3A_157 : i32 to index
        %parallel_loop3A_574 = arith.index_cast %parallel_loop3A_542 : i32 to index
        %parallel_loop3A_575 = tpu.vector_load %arg15[%parallel_loop3A_573, %parallel_loop3A_574] {strides = array<i32>} : memref<2x128xf32, #tpu.memory_space<vmem>>, vector<1x16xf32>,
        %parallel_loop3A_576 = vector.shape_cast %parallel_loop3A_575 : vector<1x16xf32> to vector<16xf32>
        %parallel_loop3A_577 = vector.shape_cast %parallel_loop3A_572 : vector<16xf32> to vector<1x16xf32>
        tpu.vector_store %arg15[%parallel_loop3A_573, %parallel_loop3A_574], %parallel_loop3A_577 {add = true, strides = array<i32>} : memref<2x128xf32, #tpu.memory_space<vmem>>, vector<1x16xf32>,
      } {sc.loop_unroll_factor = 2 : i64, sc.parallel_access}
      %eq3A_243 = arith.constant 0 : i32
      %eq3A_244 = arith.cmpi eq, %select_n3A_157, %eq3A_243 : i32
      %convert_element_type3A_245 = arith.extui %eq3A_244 : i1 to i32
      %cond3A_246 = arith.constant 0 : i32
      %cond3A_247 = arith.cmpi ne, %convert_element_type3A_245, %cond3A_246 : i32
      scf.if %cond3A_247 {
        %mul3A_254 = arith.constant 512 : i32
        %mul3A_255 = arith.muli %add3A, %mul3A_254 : i32
        %mul3A_256 = arith.constant 128 : i32
        %mul3A_257 = arith.muli %scan3A_147, %mul3A_256 : i32
        %add3A_258 = arith.addi %mul3A_255, %mul3A_257 : i32
        %dma_start3A_259 = arith.constant 0 : i32
        %dma_start3A_260 = arith.constant 0 : i32
        %dma_start3A_261 = tpu.memref_slice %arg15[%dma_start3A_259, %dma_start3A_260] : memref<2x128xf32, #tpu.memory_space<vmem>> -> memref<1x128xf32, #tpu.memory_space<vmem>>
        %dma_start3A_262 = tpu.memref_squeeze %dma_start3A_261 : memref<1x128xf32, #tpu.memory_space<vmem>> -> memref<128xf32, #tpu.memory_space<vmem>>
        %dma_start3A_263 = tpu.memref_slice %arg7[%add3A_258] : memref<16384xf32, #tpu.memory_space<hbm>> -> memref<128xf32, #tpu.memory_space<hbm>>
        %dma_start3A_264 = tpu.memref_slice %arg7[%add3A_258] : memref<16384xf32, #tpu.memory_space<hbm>> -> memref<128xf32, #tpu.memory_space<hbm>>
        %dma_start3A_265 = arith.constant 0 : i32
        %dma_start3A_266 = tpu.memref_slice %arg15[%dma_start3A_259, %dma_start3A_265] : memref<2x128xf32, #tpu.memory_space<vmem>> -> memref<1x128xf32, #tpu.memory_space<vmem>>
        %dma_start3A_267 = tpu.memref_squeeze %dma_start3A_266 : memref<1x128xf32, #tpu.memory_space<vmem>> -> memref<128xf32, #tpu.memory_space<vmem>>
        tpu.enqueue_dma source(%dma_start3A_267 : memref<128xf32, #tpu.memory_space<vmem>>) target(%dma_start3A_264 : memref<128xf32, #tpu.memory_space<hbm>>) target_semaphore(%arg18 : memref<!tpu.dma_semaphore, #tpu.memory_space<semaphore_mem>>)
      } else {
      }
      %eq3A_248 = arith.constant 1 : i32
      %eq3A_249 = arith.cmpi eq, %select_n3A_157, %eq3A_248 : i32
      %convert_element_type3A_250 = arith.extui %eq3A_249 : i1 to i32
      %cond3A_251 = arith.constant 0 : i32
      %cond3A_252 = arith.cmpi ne, %convert_element_type3A_250, %cond3A_251 : i32
      scf.if %cond3A_252 {
        %mul3A_254 = arith.constant 512 : i32
        %mul3A_255 = arith.muli %add3A, %mul3A_254 : i32
        %mul3A_256 = arith.constant 128 : i32
        %mul3A_257 = arith.muli %scan3A_147, %mul3A_256 : i32
        %add3A_258 = arith.addi %mul3A_255, %mul3A_257 : i32
        %dma_start3A_259 = arith.constant 1 : i32
        %dma_start3A_260 = arith.constant 0 : i32
        %dma_start3A_261 = tpu.memref_slice %arg15[%dma_start3A_259, %dma_start3A_260] : memref<2x128xf32, #tpu.memory_space<vmem>> -> memref<1x128xf32, #tpu.memory_space<vmem>>
        %dma_start3A_262 = tpu.memref_squeeze %dma_start3A_261 : memref<1x128xf32, #tpu.memory_space<vmem>> -> memref<128xf32, #tpu.memory_space<vmem>>
        %dma_start3A_263 = tpu.memref_slice %arg7[%add3A_258] : memref<16384xf32, #tpu.memory_space<hbm>> -> memref<128xf32, #tpu.memory_space<hbm>>
        %dma_start3A_264 = tpu.memref_slice %arg7[%add3A_258] : memref<16384xf32, #tpu.memory_space<hbm>> -> memref<128xf32, #tpu.memory_space<hbm>>
        %dma_start3A_265 = arith.constant 0 : i32
        %dma_start3A_266 = tpu.memref_slice %arg15[%dma_start3A_259, %dma_start3A_265] : memref<2x128xf32, #tpu.memory_space<vmem>> -> memref<1x128xf32, #tpu.memory_space<vmem>>
        %dma_start3A_267 = tpu.memref_squeeze %dma_start3A_266 : memref<1x128xf32, #tpu.memory_space<vmem>> -> memref<128xf32, #tpu.memory_space<vmem>>
        tpu.enqueue_dma source(%dma_start3A_267 : memref<128xf32, #tpu.memory_space<vmem>>) target(%dma_start3A_264 : memref<128xf32, #tpu.memory_space<hbm>>) target_semaphore(%arg19 : memref<!tpu.dma_semaphore, #tpu.memory_space<semaphore_mem>>)
      } else {
      }
      %scan3A_253 = arith.constant 0 : i32
      scf.yield %scan3A_253 : i32
    }
    %scan3A_120 = arith.constant 4 : i32
    %mul3A_121 = arith.constant 512 : i32
    %mul3A_122 = arith.muli %add3A, %mul3A_121 : i32
    %add3A_123 = arith.constant 256 : i32
    %add3A_124 = arith.addi %mul3A_122, %add3A_123 : i32
    %dma_wait3A_125 = arith.constant 0 : i32
    %dma_wait3A_126 = arith.constant 0 : i32
    %dma_wait3A_127 = tpu.memref_slice %arg15[%dma_wait3A_125, %dma_wait3A_126] : memref<2x128xf32, #tpu.memory_space<vmem>> -> memref<1x128xf32, #tpu.memory_space<vmem>>
    %dma_wait3A_128 = tpu.memref_squeeze %dma_wait3A_127 : memref<1x128xf32, #tpu.memory_space<vmem>> -> memref<128xf32, #tpu.memory_space<vmem>>
    %dma_wait3A_129 = tpu.memref_slice %arg7[%add3A_124] : memref<16384xf32, #tpu.memory_space<hbm>> -> memref<128xf32, #tpu.memory_space<hbm>>
    %dma_wait3A_130 = tpu.memref_slice %arg7[%add3A_124] : memref<16384xf32, #tpu.memory_space<hbm>> -> memref<128xf32, #tpu.memory_space<hbm>>
    %dma_wait3A_131 = arith.constant 0 : i32
    %dma_wait3A_132 = tpu.memref_slice %arg15[%dma_wait3A_125, %dma_wait3A_131] : memref<2x128xf32, #tpu.memory_space<vmem>> -> memref<1x128xf32, #tpu.memory_space<vmem>>
    %dma_wait3A_133 = tpu.memref_squeeze %dma_wait3A_132 : memref<1x128xf32, #tpu.memory_space<vmem>> -> memref<128xf32, #tpu.memory_space<vmem>>
    tpu.wait_dma2 semaphore(%arg18 : memref<!tpu.dma_semaphore, #tpu.memory_space<semaphore_mem>>) src(%dma_wait3A_133 : memref<128xf32, #tpu.memory_space<vmem>>) dst(%dma_wait3A_130 : memref<128xf32, #tpu.memory_space<hbm>>)
    %mul3A_134 = arith.constant 512 : i32
    %mul3A_135 = arith.muli %add3A, %mul3A_134 : i32
    %add3A_136 = arith.constant 384 : i32
    %add3A_137 = arith.addi %mul3A_135, %add3A_136 : i32
    %dma_wait3A_138 = arith.constant 1 : i32
    %dma_wait3A_139 = arith.constant 0 : i32
    %dma_wait3A_140 = tpu.memref_slice %arg15[%dma_wait3A_138, %dma_wait3A_139] : memref<2x128xf32, #tpu.memory_space<vmem>> -> memref<1x128xf32, #tpu.memory_space<vmem>>
    %dma_wait3A_141 = tpu.memref_squeeze %dma_wait3A_140 : memref<1x128xf32, #tpu.memory_space<vmem>> -> memref<128xf32, #tpu.memory_space<vmem>>
    %dma_wait3A_142 = tpu.memref_slice %arg7[%add3A_137] : memref<16384xf32, #tpu.memory_space<hbm>> -> memref<128xf32, #tpu.memory_space<hbm>>
    %dma_wait3A_143 = tpu.memref_slice %arg7[%add3A_137] : memref<16384xf32, #tpu.memory_space<hbm>> -> memref<128xf32, #tpu.memory_space<hbm>>
    %dma_wait3A_144 = arith.constant 0 : i32
    %dma_wait3A_145 = tpu.memref_slice %arg15[%dma_wait3A_138, %dma_wait3A_144] : memref<2x128xf32, #tpu.memory_space<vmem>> -> memref<1x128xf32, #tpu.memory_space<vmem>>
    %dma_wait3A_146 = tpu.memref_squeeze %dma_wait3A_145 : memref<1x128xf32, #tpu.memory_space<vmem>> -> memref<128xf32, #tpu.memory_space<vmem>>
    tpu.wait_dma2 semaphore(%arg19 : memref<!tpu.dma_semaphore, #tpu.memory_space<semaphore_mem>>) src(%dma_wait3A_146 : memref<128xf32, #tpu.memory_space<vmem>>) dst(%dma_wait3A_143 : memref<128xf32, #tpu.memory_space<hbm>>)
    return
  }
}

</mosaic_0001>

<sc_bundles>
// kernel: kernel.3.cloned.1.call-start
scs
__scs_entry_jumppad:
0x0: {  	(pc) =	sbr.rel $0x88, $3  }
0x1: {  	(tag) =	ssettag $0x0;
	lr =	simm.s32 $0x1  }
0x2: {  	[smem:$0x3F9C] =	sst lr;
	_ =	strace $0xD0000000  }
0x3: {  	_ = 	snop  }
0x4: {  	_ = 	snop  }
0x5: {  	_ = 	snop  }
0x6: {  	_ = 	snop  }
0x7: {  	_ = 	snop  }
__scs_overlays_trampoline_lowered:
0x8: {  	[smem:$0x3FAB] =	sst s0  }
0x9: {  	[smem:$0x3FAC] =	sst s1  }
0xa: {  	[smem:$0x3FAD] =	sst s2  }
0xb: {  	[smem:$0x3FAE] =	sst s3  }
0xc: {  	[smem:$0x3FAF] =	sst s4  }
0xd: {  	[smem:$0x3FB0] =	sst s5  }
0xe: {  	[smem:$0x3FB1] =	sst s6  }
0xf: {  	[smem:$0x3FB2] =	sst s7  }
0x10: {  	[smem:$0x3FB3] =	sst s8  }
0x11: {  	[smem:$0x3FB4] =	sst s9;
	s0 =	simm.s32 @!p0 $0x0  }
0x12: {  	s1 =	sld [smem:$0x3F9A];
	s0 =	simm.s32 @p0 $0x1  }
0x13: {  	[smem:$0x3FB5] =	sst s0;
	s0 =	simm.s32 @!p1 $0x0  }
0x14: {  	s2 =	sld [smem:$0x3F99];
	s0 =	simm.s32 @p1 $0x1  }
0x15: {  	[smem:$0x3FB6] =	sst s0;
	s0 =	simm.s32 @!p2 $0x0  }
0x16: {  	s3 =	sld [smem:$0x3FDB];
	s0 =	simm.s32 @p2 $0x1  }
0x17: {  	s4 =	simm.s32 $0x1BF5;
	[smem:$0x3FB8] =	sst s0  }
0x18: {  	s0 =	sld [smem:$0x3F9B];
	_ =	swait.ge [sflag:s4], $0x0  }
0x19: {  	s7 =	sld [smem:$0x3F9C]  }
0x1a: {  	s8 =	sadd.s32 $0xFFFFE003, lr  }
0x1b: {  	s9 =	sadd.s32 $0xFFFFFEF7, lr;
	s5 =	simm.s32 $0xFFFFFFFF;
	p2 =	slt.u32 s8, $0xFFFFF086  }
0x1c: {  	p1 =	slt.u32 s9, $0xF7A;
	s5 =	simm.s32 @!p2 $0x0  }
0x1d: {  	s5 =	simm.s32 @p1 $0x1;
	p0 =	seq.s32 s7, s2  }
0x1e: {  	s7 =	smul.u32 @!p0 $0xF7A, s2;
	p2 =	seq.s32 @!p0 s5, $0x0  }
0x1f: {  	s9 =	smul.u32 $0xF7A, s1;
	s8 =	simm.s32 @!p0 $0x1BF5;
	p2 =	por !p2, p0  }
0x20: {  	[sflag:s8] =	ssyncset.s32 @!p0 $0xFFFFF086;
	s6 =	sadd.s32 @!p0 s3, s7;
	s7 =	simm.s32 @!p0 $0x108  }
0x21: {  	s3 =	sadd.s32 s3, s9;
	s6 =	sadd.s32 @!p0 $0x88, s6;
	s7 =	simm.s32 @p2 $0x1082  }
0x22: {  	[simem:s7], [sflag:s8] =	dma.local @!p0 [hbm:s6], $0xF7A  }
0x23: {  	s9 =	sor.u32 $0xD0000000, s2;
	s6 =	simm.s32 $0x108;
	_ =	swait.ge @!p0 [sflag:s8], $0x0  }
0x24: {  	s3 =	sadd.s32 $0x88, s3;
	s6 =	simm.s32 @!p1 $0x1082;
	[sflag:s4] =	ssyncset.s32 $0xFFFFF086  }
0x25: {  	[simem:s6], [sflag:s4] =	dma.local [hbm:s3], $0xF7A  }
0x26: {  	[smem:$0x3F9C] =	sst s1;
	(tag) =	ssettag s2;
	_ =	strace s9  }
0x27: {  	s1 =	sld [smem:$0x3FAC]  }
0x28: {  	s2 =	sld [smem:$0x3FAD]  }
0x29: {  	s4 =	sld [smem:$0x3FAF]  }
0x2a: {  	p0 =	seq.s32 s5, $0x0;
	s5 =	sld [smem:$0x3FB0]  }
0x2b: {  	s6 =	sld [smem:$0x3FB1]  }
0x2c: {  	s7 =	sld [smem:$0x3FB2]  }
0x2d: {  	s3 =	simm.s32 $0x108;
	s8 =	sld [smem:$0x3FB3]  }
0x2e: {  	s3 =	simm.s32 @!p0 $0x1082;
	s9 =	sld [smem:$0x3FB4]  }
0x2f: {  	lr =	sadd.s32 s0, s3;
	s0 =	sld [smem:$0x3FAB]  }
0x30: {  	s3 =	sld [smem:$0x3FAE]  }
0x31: {  	[smem:$0x3FB7] =	sst s10  }
0x32: {  	s10 =	sld [smem:$0x3FB5];
	_ =	sdelay $0x3  }
0x33: {  	p0 =	seq.s32 s10, $0x1;
	s10 =	sld [smem:$0x3FB7];
	_ =	sdelay $0x3  }
0x34: {  	[smem:$0x3FB7] =	sst s10  }
0x35: {  	s10 =	sld [smem:$0x3FB6];
	_ =	sdelay $0x3  }
0x36: {  	p1 =	seq.s32 s10, $0x1;
	s10 =	sld [smem:$0x3FB7];
	_ =	sdelay $0x3  }
0x37: {  	[smem:$0x3FB7] =	sst s10  }
0x38: {  	s10 =	sld [smem:$0x3FB8]  }
0x39: {  	_ = 	snop;
	(pc) =	sbr.ind lr, $3  }
0x3a: {  	_ = 	snop  }
0x3b: {  	_ = 	snop  }
0x3c: {  	p2 =	seq.s32 s10, $0x1;
	s10 =	sld [smem:$0x3FB7]  }
0x3d: {  	_ =	shalt  }
0x3e: {  	_ =	shalt  }
0x3f: {  	_ =	shalt  }
0x40: {  	_ =	shalt  }
0x41: {  	_ =	shalt  }
0x42: {  	_ =	shalt  }
0x43: {  	_ =	shalt  }
0x44: {  	_ =	shalt  }
0x45: {  	_ =	shalt  }
0x46: {  	_ =	shalt  }
0x47: {  	_ =	shalt  }
0x48: {  	_ =	shalt  }
0x49: {  	_ =	shalt  }
0x4a: {  	_ =	shalt  }
0x4b: {  	_ =	shalt  }
0x4c: {  	_ =	shalt  }
0x4d: {  	_ =	shalt  }
0x4e: {  	_ =	shalt  }
0x4f: {  	_ =	shalt  }
0x50: {  	_ =	shalt  }
0x51: {  	_ =	shalt  }
0x52: {  	_ =	shalt  }
0x53: {  	_ =	shalt  }
0x54: {  	_ =	shalt  }
0x55: {  	_ =	shalt  }
0x56: {  	_ =	shalt  }
0x57: {  	_ =	shalt  }
0x58: {  	_ =	shalt  }
0x59: {  	_ =	shalt  }
0x5a: {  	_ =	shalt  }
0x5b: {  	_ =	shalt  }
0x5c: {  	_ =	shalt  }
0x5d: {  	_ =	shalt  }
0x5e: {  	_ =	shalt  }
0x5f: {  	_ =	shalt  }
0x60: {  	_ =	shalt  }
0x61: {  	_ =	shalt  }
0x62: {  	_ =	shalt  }
0x63: {  	_ =	shalt  }
0x64: {  	_ =	shalt  }
0x65: {  	_ =	shalt  }
0x66: {  	_ =	shalt  }
0x67: {  	_ =	shalt  }
0x68: {  	_ =	shalt  }
0x69: {  	_ =	shalt  }
0x6a: {  	_ =	shalt  }
0x6b: {  	_ =	shalt  }
0x6c: {  	_ =	shalt  }
0x6d: {  	_ =	shalt  }
0x6e: {  	_ =	shalt  }
0x6f: {  	_ =	shalt  }
0x70: {  	_ =	shalt  }
0x71: {  	_ =	shalt  }
0x72: {  	_ =	shalt  }
0x73: {  	_ =	shalt  }
0x74: {  	_ =	shalt  }
0x75: {  	_ =	shalt  }
0x76: {  	_ =	shalt  }
0x77: {  	_ =	shalt  }
0x78: {  	_ =	shalt  }
0x79: {  	_ =	shalt  }
0x7a: {  	_ =	shalt  }
0x7b: {  	_ =	shalt  }
0x7c: {  	_ =	shalt  }
0x7d: {  	_ =	shalt  }
0x7e: {  	_ =	shalt  }
0x7f: {  	_ =	shalt  }
0x80: {  	_ =	shalt  }
0x81: {  	_ =	shalt  }
0x82: {  	_ =	shalt  }
0x83: {  	_ =	shalt  }
0x84: {  	_ =	shalt  }
0x85: {  	_ =	shalt  }
0x86: {  	_ =	shalt  }
0x87: {  	_ =	shalt  }
.Lfunc_end0:
.L_simem_size_0:
called_computation_lowered:
.L_overlay_start_0:
0x88: {  	s2 =	sld [smem:$0x3FD9]  }
0x89: {  	s3 =	sld [smem:$0x3FFE];
	_ =	sdelay $0x1  }
0x8a: {  	s1 =	srdreg.scid  }
0x8b: {  	s0 =	sand.u32 $0x1, s1  }
0x8c: {  	s18 =	sshll.u32 s0, $0xA;
	s2 =	sadd.s32 s3, s2  }
0x8d: {  	s2 =	sadd.s32 s2, s18  }
0x8e: {  	[smem:$0x3FC3] =	sst s2  }
0x8f: {  	_ = 	snop  }
0x90: {  	s2 =	sld [smem:$0x3FC9]  }
0x91: {  	s19 =	sld [smem:$0x3FC8]  }
0x92: {  	s4 =	sld [smem:$0x3FC7]  }
0x93: {  	s5 =	sld [smem:$0x3FC6]  }
0x94: {  	s6 =	sld [smem:$0x3FC5]  }
0x95: {  	s7 =	sld [smem:$0x3FD0];
	(tm) =	ssettm $0x1  }
0x96: {  	s8 =	sld [smem:$0x3FFB];
	_ =	sdelay $0x3  }
0x97: {  	_ =	strace s8  }
0x98: {  	s8 =	sld [smem:$0x3FFC];
	_ =	sdelay $0x3  }
0x99: {  	_ =	strace s8  }
0x9a: {  	s8 =	sld [smem:$0x3FFD];
	_ =	sdelay $0x3  }
0x9b: {  	_ =	strace s8  }
0x9c: {  	_ =	strace $0x8FFFFFFF  }
0x9d: {  	s20 =	sld [smem:$0x3FDB];
	_ =	sdelay $0x1  }
0x9e: {  	s9 =	simm.s32 $_scs_section_size  }
0x9f: {  	s10 =	simm.s32 $_size__tile_overlayer_lowered;
	s11 =	simm.s32 $_tile_overlayer_lowered  }
0xa0: {  	s23 =	simm.s32 $0x1BFF;
	s22 =	sshll.u32 s11, $0x1;
	s8 =	sadd.s32 s9, s20  }
0xa1: {  	s12 =	simm.s32 $0x0;
	s21 =	sshll.u32 s10, $0x1;
	s10 =	sadd.s32 s22, s8  }
0xa2: {  	[timem:s12], [sflag:s23] =	dma.local [hbm:s10], s21  }
0xa3: {  	_ =	swait.ge [sflag:s23], s21  }
0xa4: {  	s9 =	ssub.s32 $0x0, s21;
	[sflag:s23] =	ssyncset.done $0x0  }
0xa5: {  	[sflag:s23] =	ssyncadd.s32 s9;
	_ =	sdelay $0x1  }
0xa6: {  	s24 =	simm.s32 $0x1B8B  }
0xa7: {  	_ =	swait.ge [sflag:s24], $0x1  }
0xa8: {  	[sflag:s24] =	ssyncset.done $0x0  }
0xa9: {  	s25 =	simm.s32 $0x1B8E;
	[sflag:s24] =	ssyncadd.s32 $0xFFFFFFFF  }
0xaa: {  	s26 =	simm.s32 $execute0_lowered;
	[smem:$0x3FD2] =	sst s25  }
0xab: {  	s9 =	sshll.u32 s26, $0x1;
	_ =	strace $0x80000046;
	[dreg:$0x1] =	wrdreg $0xFFFFFFFF  }
0xac: {  	s28 =	simm.s32 $_size_execute0_lowered;
	s8 =	sadd.s32 s8, s9;
	[dreg:$0x0] =	wrdreg $0x0  }
0xad: {  	s9 =	sshll.u32 s28, $0x1;
	[dreg:$0x2] =	wrdreg s8  }
0xae: {  	[dreg:$0x3] =	wrdreg s9  }
0xaf: {  	[dreg:$0x4] =	wrdreg $0xC0  }
0xb0: {  	_ =	task [dreg:s12], $0x5FFFF  }
0xb1: {  	[dreg:$0x1] =	wrdreg $0xFFFFFFFF  }
0xb2: {  	[dreg:$0x0] =	wrdreg $0x60  }
0xb3: {  	[dreg:$0x2] =	wrdreg s2  }
0xb4: {  	[dreg:$0x3] =	wrdreg s19  }
0xb5: {  	[dreg:$0x4] =	wrdreg s4  }
0xb6: {  	[dreg:$0x5] =	wrdreg s5  }
0xb7: {  	[dreg:$0x6] =	wrdreg s6  }
0xb8: {  	[dreg:$0x7] =	wrdreg s7  }
0xb9: {  	[dreg:$0x8] =	wrdreg $0x9  }
0xba: {  	_ =	task.clear_ibuf [dreg:s12], $0x9FFFF;
	_ =	strace $0x90000046  }
0xbb: {  	s29 =	simm.s32 $0x9;
	_ =	strace $0x80000048  }
0xbc: {  	_ =	swait.ge [sflag:s29], $0x1  }
0xbd: {  	[sflag:s29] =	ssyncadd.s32 $0xFFFFFFFF  }
0xbe: {  	_ =	strace $0x90000048  }
0xbf: {  	_ =	sfence  }
0xc0: {  	s30 =	sld [smem:$0x0];
	_ =	sdelay $0x2  }
0xc1: {  	s31 =	sshll.u32 s1, $0xD;
	s1 =	sshrl.u32 s1, $0x2  }
0xc2: {  	s3 =	sand.u32 $0x4000, s31;
	s1 =	sadd.s32 s1, s30  }
0xc3: {  	s0 =	sor.u32 s3, s0;
	s1 =	sshll.u32 s1, $0x11  }
0xc4: {  	s0 =	sor.u32 s1, s0  }
0xc5: {  	s0 =	sadd.s32 $0x8F2B, s0  }
0xc6: {  	[sflag:s0] =	ssyncadd.remote.s32 $0x1  }
0xc7: {  	_ =	sfence.sel $0xFFFF  }
0xc8: {  	[dreg:$0x0] =	wrdreg $0xFFFFFFFF;
	(pc) =	sbr.abs _section_cstart, $3  }
0xc9: {  	[dreg:$0x1] =	wrdreg $0xFFFFFFFF  }
0xca: {  	_ =	task.clear_ibuf [dreg:s12], $0x2FFFF;
	_ =	strace $0x9FFFFFFF  }
0xcb: {  	(tm) =	ssettm $0x7FFFFFFF  }
tec
execute0_lowered:
.L_overlay_start_1:
0x0: {  	(tag) =	ssettag $0x1  }
0x1: {  	s0 =	rddreg [dreg:$0x0]  }
0x2: {  	s3 =	rddreg [dreg:$0x1]  }
0x3: {  	s7 =	rddreg [dreg:$0x2]  }
0x4: {  	s1 =	rddreg [dreg:$0x3];
	s6 =	srdreg.scid  }
0x5: {  	s2 =	rddreg [dreg:$0x4];
	s9 =	stileid.u32;
	s6 =	sand.u32 $0x1, s6  }
0x6: {  	s9 =	sshll.u32 s9, $0xA;
	s8 =	ssub.s32 $0x2, s6;
	s6 =	sshll.u32 s6, $0x9  }
0x7: {  	s4 =	rddreg [dreg:$0x5];
	s5 =	simm.s32 $0x0;
	s6 =	sor.u32 s6, s9  }
0x8: {  	[smem:$0x7FF] =	sst s5;
	s9 =	sshrl.u32 s6, $0x3  }
0x9: {  	_ =	strace $0x80000047;
	s10 =	sshrl.u32 s8, $0x1;
	s25 =	sadd.s32 s0, s9  }
0xa: {  	s8 =	ssub.s32 s8, s10;
	s26 =	sadd.s32 s3, s9;
	[dreg:$0x7] =	wrdreg s25  }
0xb: {  	s28 =	sor.u32 $0x10, s9;
	s9 =	sadd.s32 s7, s9;
	[dreg:$0x8] =	wrdreg s26  }
0xc: {  	s31 =	smax.u32 s8, $0x1;
	[dreg:$0x9] =	wrdreg s9  }
0xd: {  	s0 =	sadd.s32 s0, s28;
	[dreg:$0xd] =	wrdreg s31  }
0xe: {  	s16 =	simm.s32 $0x1;
	s29 =	sadd.s32 s3, s28;
	[dreg:$0xa] =	wrdreg s0  }
0xf: {  	s17 =	simm.s32 $0x80;
	s30 =	sadd.s32 s7, s28;
	[dreg:$0xb] =	wrdreg s29  }
0x10: {  	s23 =	simm.s32 $0x2;
	v0 =	vimm.f32 $0.0e+00;
	v1 =	vlaneseq.u32;
	s26 =	simm.s32 $0x0;
	[dreg:$0xc] =	wrdreg s30  }
.LBB2_1:
0x11: {  	s0 =	rddreg [dreg:$0x7]  }
0x12: {  	[tilespmem:s5], [sflag:$0x1] =	stream.linear.gather [hbm4b:s0+s5], $0x80, $0x38;
	[tilespmem:$0x1C700] =	vst v63  }
0x13: {  	s18 =	rddreg [dreg:$0x8];
	s3 =	simm.s32 $0x200  }
0x14: {  	[tilespmem:s3], [sflag:$0x1] =	stream.linear.gather [hbm4b:s18+s5], $0x80, $0x38;
	[tilespmem:$0x1C700] =	vst v63  }
0x15: {  	s19 =	rddreg [dreg:$0x9];
	s7 =	simm.s32 $0x400  }
0x16: {  	[tilespmem:s7], [sflag:$0x1] =	stream.linear.gather [hbm4b:s19+s5], $0x80, $0x38;
	[tilespmem:$0x1C700] =	vst v63  }
0x17: {  	_ =	swait.ge [sflag:s16], $0x80  }
0x18: {  	[sflag:s16] =	ssyncset.done $0x0  }
0x19: {  	[sflag:s16] =	ssyncadd.s32 $0xFFFFFF80  }
0x1a: {  	_ =	swait.ge [sflag:s16], $0x80  }
0x1b: {  	[sflag:s16] =	ssyncset.done $0x0  }
0x1c: {  	[sflag:s16] =	ssyncadd.s32 $0xFFFFFF80  }
0x1d: {  	_ =	swait.ge [sflag:s16], $0x80  }
0x1e: {  	[sflag:s16] =	ssyncset.done $0x0  }
0x1f: {  	s20 =	simm.s32 $0x600;
	[sflag:s16] =	ssyncadd.s32 $0xFFFFFF80  }
0x20: {  	[tilespmem:s20], [sflag:$0x1] =	stream.indirect.gather [hbm4b:s1+s17], $0x80, s5, s17, $0xb8;
	[tilespmem:$0x1C700] =	vst v63  }
0x21: {  	s21 =	simm.s32 $0x8600  }
0x22: {  	[tilespmem:s21], [sflag:$0x1] =	stream.indirect.gather [hbm4b:s2+s17], $0x80, s3, s17, $0xb8;
	[tilespmem:$0x1C700] =	vst v63  }
0x23: {  	s22 =	simm.s32 $0x10600  }
0x24: {  	[tilespmem:s22], [sflag:$0x1] =	stream.indirect.gather [hbm4b:s1+s17], $0x80, s7, s17, $0xb8;
	[tilespmem:$0x1C700] =	vst v63  }
0x25: {  	s24 =	rddreg [dreg:$0xa]  }
0x26: {  	[tilespmem:s17], [sflag:$0x2] =	stream.linear.gather [hbm4b:s24+s5], $0x180, $0x38;
	[tilespmem:$0x1C700] =	vst v63  }
0x27: {  	s29 =	simm.s32 $0x280;
	s25 =	rddreg [dreg:$0xb]  }
0x28: {  	[tilespmem:s29], [sflag:$0x2] =	stream.linear.gather [hbm4b:s25+s5], $0x180, $0x38;
	[tilespmem:$0x1C700] =	vst v63  }
0x29: {  	s31 =	simm.s32 $0x480;
	s30 =	rddreg [dreg:$0xc]  }
0x2a: {  	[tilespmem:s31], [sflag:$0x2] =	stream.linear.gather [hbm4b:s30+s5], $0x180, $0x38;
	[tilespmem:$0x1C700] =	vst v63  }
0x2b: {  	_ =	swait.ge [sflag:s23], $0x180  }
0x2c: {  	[sflag:s23] =	ssyncset.done $0x0  }
0x2d: {  	[sflag:s23] =	ssyncadd.s32 $0xFFFFFE80  }
0x2e: {  	_ =	swait.ge [sflag:s23], $0x180  }
0x2f: {  	[sflag:s23] =	ssyncset.done $0x0  }
0x30: {  	[sflag:s23] =	ssyncadd.s32 $0xFFFFFE80  }
0x31: {  	_ =	swait.ge [sflag:s23], $0x180  }
0x32: {  	[sflag:s23] =	ssyncset.done $0x0  }
0x33: {  	s28 =	simm.s32 $0x0;
	[sflag:s23] =	ssyncadd.s32 $0xFFFFFE80  }
.LBB2_2:
0x34: {  	s0 =	sand.u32 $0x1, s28  }
0x35: {  	p0 =	seq.s32 s0, $0x1  }
0x36: {  	s3 =	simm.s32 @!p0 $0x1  }
0x37: {  	_ =	swait.ge @!p0 [sflag:s3], $0x4000  }
0x38: {  	[sflag:s3] =	ssyncset.done @!p0 $0x0  }
0x39: {  	[sflag:s3] =	ssyncadd.s32 @!p0 $0xFFFFC000  }
0x3a: {  	_ =	swait.ge @!p0 [sflag:s3], $0x4000  }
0x3b: {  	[sflag:s3] =	ssyncset.done @!p0 $0x0  }
0x3c: {  	[sflag:s3] =	ssyncadd.s32 @!p0 $0xFFFFC000  }
0x3d: {  	_ =	swait.ge @!p0 [sflag:s3], $0x4000  }
0x3e: {  	p1 =	seq.s32 s0, $0x0;
	[sflag:s3] =	ssyncset.done @!p0 $0x0  }
0x3f: {  	[sflag:s3] =	ssyncadd.s32 @!p0 $0xFFFFC000;
	s3 =	simm.s32 @!p1 $0x2  }
0x40: {  	_ =	swait.ge @!p1 [sflag:s3], $0x4000  }
0x41: {  	[sflag:s3] =	ssyncset.done @!p1 $0x0  }
0x42: {  	[sflag:s3] =	ssyncadd.s32 @!p1 $0xFFFFC000  }
0x43: {  	_ =	swait.ge @!p1 [sflag:s3], $0x4000  }
0x44: {  	[sflag:s3] =	ssyncset.done @!p1 $0x0  }
0x45: {  	[sflag:s3] =	ssyncadd.s32 @!p1 $0xFFFFC000  }
0x46: {  	_ =	swait.ge @!p1 [sflag:s3], $0x4000  }
0x47: {  	s29 =	sadd.s32 $0x1, s28;
	[sflag:s3] =	ssyncset.done @!p1 $0x0  }
0x48: {  	p3 =	seq.s32 s28, $0x3;
	[sflag:s3] =	ssyncadd.s32 @!p1 $0xFFFFC000;
	p1 =	sne.s32 s0, $0x0  }
0x49: {  	s3 =	sshll.u32 @!p1 s29, $0x7;
	s7 =	simm.s32 @!p1 $0x80;
	s8 =	simm.s32 @!p1 $0x4600  }
0x4a: {  	[tilespmem:s8], [sflag:$0x2] =	stream.indirect.gather @!p1 [hbm4b:s1+s7], $0x80, s3, s7, $0xb8;
	[tilespmem:$0x1C700] =	vst v63  }
0x4b: {  	p2 =	por !p0, !p0;
	s9 =	simm.s32 @!p1 $0xC600;
	s8 =	sadd.s32 @!p1 $0x200, s3  }
0x4c: {  	[tilespmem:s9], [sflag:$0x2] =	stream.indirect.gather @!p1 [hbm4b:s2+s7], $0x80, s8, s7, $0xb8;
	[tilespmem:$0x1C700] =	vst v63  }
0x4d: {  	p3 =	por p3, p2;
	s3 =	sadd.s32 @!p1 $0x400, s3;
	s8 =	simm.s32 @!p1 $0x14600  }
0x4e: {  	[tilespmem:s8], [sflag:$0x2] =	stream.indirect.gather @!p1 [hbm4b:s1+s7], $0x80, s3, s7, $0xb8;
	[tilespmem:$0x1C700] =	vst v63  }
0x4f: {  	s3 =	sshll.u32 @!p3 s29, $0x7;
	s7 =	simm.s32 @!p3 $0x80;
	s8 =	simm.s32 @!p3 $0x600  }
0x50: {  	[tilespmem:s8], [sflag:$0x1] =	stream.indirect.gather @!p3 [hbm4b:s1+s7], $0x80, s3, s7, $0xb8;
	[tilespmem:$0x1C700] =	vst v63  }
0x51: {  	s9 =	simm.s32 @!p3 $0x8600;
	s8 =	sadd.s32 @!p3 $0x200, s3  }
0x52: {  	[tilespmem:s9], [sflag:$0x1] =	stream.indirect.gather @!p3 [hbm4b:s2+s7], $0x80, s8, s7, $0xb8;
	[tilespmem:$0x1C700] =	vst v63  }
0x53: {  	s3 =	sadd.s32 @!p3 $0x400, s3;
	s8 =	simm.s32 @!p3 $0x10600  }
0x54: {  	[tilespmem:s8], [sflag:$0x1] =	stream.indirect.gather @!p3 [hbm4b:s1+s7], $0x80, s3, s7, $0xb8;
	[tilespmem:$0x1C700] =	vst v63  }
0x55: {  	p3 =	slt.u32 s28, $0x2  }
0x56: {  	p4 =	sne.s32 @!p3 s0, $0x0  }
0x57: {  	p4 =	por p4, p3  }
0x58: {  	s3 =	simm.s32 @!p4 $0x3  }
0x59: {  	_ =	swait.ge @!p4 [sflag:s3], $0x80  }
0x5a: {  	p2 =	por p3, p2;
	[sflag:s3] =	ssyncset.done @!p4 $0x0  }
0x5b: {  	[sflag:s3] =	ssyncadd.s32 @!p4 $0xFFFFFF80;
	s3 =	simm.s32 @!p2 $0x4  }
0x5c: {  	_ =	swait.ge @!p2 [sflag:s3], $0x80  }
0x5d: {  	[sflag:s3] =	ssyncset.done @!p2 $0x0  }
0x5e: {  	[sflag:s3] =	ssyncadd.s32 @!p2 $0xFFFFFF80;
	s3 =	sshll.u32 s0, $0x7  }
0x5f: {  	[tilespmem:s3+$0x1C600] =	vst v0  }
0x60: {  	[tilespmem:s3+$0x1C610] =	vst v0  }
0x61: {  	s0 =	sshll.u32 s0, $0xE;
	[tilespmem:s3+$0x1C620] =	vst v0  }
0x62: {  	[tilespmem:s3+$0x1C630] =	vst v0;
	v2 =	vmov s0  }
0x63: {  	s10 =	simm.s32 $0x10;
	[tilespmem:s3+$0x1C640] =	vst v0  }
0x64: {  	s19 =	sand.u32 $0x70, s10;
	[tilespmem:s3+$0x1C650] =	vst v0  }
0x65: {  	[tilespmem:s3+$0x1C660] =	vst v0;
	s0 =	sadd.s32 $0x0, s19  }
0x66: {  	[tilespmem:s3+$0x1C670] =	vst v0;
	s0 =	sshll.u32 s0, $0x7  }
0x67: {  	v3 =	vld.idx.msk [tilespmem:v2+s0+$0x8670 ss:$0x1], $0xffff  }
0x68: {  	v4 =	vld.idx.msk [tilespmem:v2+s0+$0x10670 ss:$0x1], $0xffff  }
0x69: {  	v5 =	vld.idx.msk [tilespmem:v2+s0+$0x8650 ss:$0x1], $0xffff  }
0x6a: {  	v6 =	vld.idx.msk [tilespmem:v2+s0+$0x10650 ss:$0x1], $0xffff  }
0x6b: {  	v7 =	vld.idx.msk [tilespmem:v2+s0+$0x8610 ss:$0x1], $0xffff  }
0x6c: {  	v8 =	vld.idx.msk [tilespmem:v2+s0+$0x10630 ss:$0x1], $0xffff  }
0x6d: {  	v9 =	vld.idx.msk [tilespmem:v2+s0+$0x10610 ss:$0x1], $0xffff  }
0x6e: {  	v10 =	vld.idx.msk [tilespmem:v2+s0+$0x8660 ss:$0x1], $0xffff  }
0x6f: {  	v12 =	vld.idx.msk [tilespmem:v2+s0+$0x10600 ss:$0x1], $0xffff  }
0x70: {  	v13 =	vld.idx.msk [tilespmem:v2+s0+$0x8640 ss:$0x1], $0xffff  }
0x71: {  	v14 =	vld.idx.msk [tilespmem:v2+s0+$0x10620 ss:$0x1], $0xffff  }
0x72: {  	v16 =	vld.idx.msk [tilespmem:v2+s0+$0x8600 ss:$0x1], $0xffff  }
0x73: {  	v18 =	vld.idx.msk [tilespmem:v2+s0+$0x8620 ss:$0x1], $0xffff;
	v15 =	vmul.f32 v8, v3;
	v17 =	vmul.f32 v6, v3  }
0x74: {  	v20 =	vld.idx.msk [tilespmem:v2+s0+$0x10640 ss:$0x1], $0xffff;
	v19 =	vmul.f32 v4, v3;
	v21 =	vmul.f32 v4, v5  }
0x75: {  	v11 =	vld.idx.msk [tilespmem:v2+s0+$0x10660 ss:$0x1], $0xffff;
	v22 =	vmul.f32 v6, v7;
	v23 =	vmul.f32 v12, v10  }
0x76: {  	v24 =	vmul.f32 v6, v5;
	v25 =	vmul.f32 v8, v7  }
0x77: {  	s11 =	simm.s32 $0x0;
	v26 =	vmul.f32 v14, v10;
	v28 =	vmul.f32 v9, v7  }
0x78: {  	s31 =	sand.u32 $0x60, s11;
	v29 =	vmul.f32 v12, v13;
	v31 =	vmul.f32 v12, v16  }
0x79: {  	s7 =	sadd.s32 $0x0, s31;
	v27 =	vld.idx.msk [tilespmem:v2+s0+$0x8630 ss:$0x1], $0xffff;
	v32 =	vmul.f32 v14, v18;
	v34 =	vmul.f32 v20, v13  }
0x7a: {  	s7 =	sshll.u32 s7, $0x7;
	v35 =	vmul.f32 v11, v10;
	v49 =	vmul.f32 v14, v16  }
0x7b: {  	v30 =	vld.idx.msk [tilespmem:v2+s7+$0x8600 ss:$0x1], $0xffff;
	v12 =	vmul.f32 v12, v18;
	v38 =	vmul.f32 v20, v16  }
0x7c: {  	v33 =	vld.idx.msk [tilespmem:v2+s7+$0x8620 ss:$0x1], $0xffff;
	v39 =	vmul.f32 v11, v18;
	v50 =	vmul.f32 v11, v13  }
0x7d: {  	v36 =	vld.idx.msk [tilespmem:v2+s7+$0x10600 ss:$0x1], $0xffff;
	v11 =	vmul.f32 v11, v16;
	v16 =	vmul.f32 v20, v18;
	v31 =	vadd.f32 v32, v31  }
0x7e: {  	v37 =	vld.idx.msk [tilespmem:v2+s0+$0x600 ss:$0x1], $0xffff;
	v10 =	vmul.f32 v20, v10;
	v20 =	vmul.f32 v8, v27  }
0x7f: {  	v40 =	vld.idx.msk [tilespmem:v2+s7+$0x10620 ss:$0x1], $0xffff;
	v13 =	vmul.f32 v14, v13;
	v12 =	vsub.f32 v49, v12;
	v31 =	vadd.f32 v34, v31  }
0x80: {  	v51 =	vld.idx.msk [tilespmem:v2+s0+$0x620 ss:$0x1], $0xffff;
	v14 =	vmul.f32 v9, v27;
	v38 =	vsub.f32 v38, v39;
	v11 =	vadd.f32 v11, v16  }
0x81: {  	v52 =	vld.idx.msk [tilespmem:v2+s0+$0x640 ss:$0x1], $0xffff;
	v6 =	vmul.f32 v6, v27;
	v12 =	vadd.f32 v50, v12;
	v31 =	vadd.f32 v35, v31  }
0x82: {  	v18 =	vld.idx.msk [tilespmem:v2+s7+$0x8640 ss:$0x1], $0xffff;
	v3 =	vmul.f32 v9, v3;
	v20 =	vadd.f32 v20, v28;
	v14 =	vsub.f32 v25, v14  }
0x83: {  	v16 =	vld.idx.msk [tilespmem:v2+s7+$0x10640 ss:$0x1], $0xffff;
	v29 =	vsub.f32 v38, v29;
	v10 =	vsub.f32 v12, v10;
	v12 =	vmul.f32 v31, v37  }
0x84: {  	v11 =	vsub.f32 v11, v13;
	v20 =	vadd.f32 v24, v20;
	v24 =	vmul.f32 v4, v27;
	v31 =	vld.idx.msk [tilespmem:v2+s0+$0x660 ss:$0x1], $0xffff  }
0x85: {  	v28 =	vld.idx.msk [tilespmem:v2+s7+$0x8660 ss:$0x1], $0xffff;
	v26 =	vadd.f32 v29, v26;
	v10 =	vmul.f32 v10, v51;
	v12 =	vadd.f32 $0.0e+00, v12  }
0x86: {  	v13 =	vld.idx.msk [tilespmem:v2+s0+$0x610 ss:$0x1], $0xffff;
	v14 =	vadd.f32 v21, v14;
	v4 =	vmul.f32 v4, v7;
	v11 =	vsub.f32 v11, v23  }
0x87: {  	v25 =	vld.idx.msk [tilespmem:v2+s7+$0x10660 ss:$0x1], $0xffff;
	v23 =	vmul.f32 v9, v5;
	v10 =	vadd.f32 v10, v12;
	v12 =	vmul.f32 v26, v52  }
0x88: {  	v21 =	vsub.f32 v22, v24;
	v4 =	vadd.f32 v4, v6;
	v5 =	vmul.f32 v8, v5;
	v26 =	vld.idx.msk [tilespmem:v2+s0+$0x630 ss:$0x1], $0xffff  }
0x89: {  	v6 =	vld.idx.msk [tilespmem:v2+s0+$0x670 ss:$0x1], $0xffff;
	v11 =	vmul.f32 v11, v31;
	v10 =	vadd.f32 v12, v10;
	v12 =	vadd.f32 v19, v20  }
0x8a: {  	s12 =	simm.s32 $0x30;
	v7 =	vld.idx.msk [tilespmem:v2+s0+$0x650 ss:$0x1], $0xffff;
	v4 =	vsub.f32 v4, v5;
	v5 =	vmul.f32 v40, v33;
	v19 =	vsub.f32 v21, v23  }
0x8b: {  	s21 =	sand.u32 $0x70, s12;
	v22 =	vld.idx.msk [tilespmem:v2+s7+$0x600 ss:$0x1], $0xffff;
	v10 =	vadd.f32 v10, v11;
	v11 =	vsub.f32 v14, v17;
	v12 =	vmul.f32 v12, v13  }
0x8c: {  	s8 =	sadd.s32 $0x0, s21;
	v9 =	vld.idx.msk [tilespmem:v2+s7+$0x10630 ss:$0x1], $0xffff;
	v3 =	vsub.f32 v4, v3;
	v4 =	vmul.f32 v40, v30;
	v14 =	vmul.f32 v36, v30  }
0x8d: {  	s8 =	sshll.u32 s8, $0x7;
	v13 =	vld.idx.msk [tilespmem:v2+s7+$0x8630 ss:$0x1], $0xffff;
	v8 =	vadd.f32 v19, v15;
	v10 =	vadd.f32 v12, v10;
	v11 =	vmul.f32 v11, v26  }
0x8e: {  	v29 =	vld.idx.msk [tilespmem:v2+s8+$0x8660 ss:$0x1], $0xffff;
	v3 =	vmul.f32 v3, v6;
	v15 =	vmul.f32 v16, v18;
	v5 =	vadd.f32 v5, v14  }
0x8f: {  	v20 =	vld.idx.msk [tilespmem:v2+s7+$0x8610 ss:$0x1], $0xffff;
	v7 =	vmul.f32 v8, v7;
	v14 =	vmul.f32 v16, v30;
	v10 =	vadd.f32 v11, v10  }
0x90: {  	v21 =	vld.idx.msk [tilespmem:v2+s7+$0x8670 ss:$0x1], $0xffff;
	v11 =	vmul.f32 v36, v33;
	v5 =	vadd.f32 v15, v5;
	v15 =	vmul.f32 v25, v33  }
0x91: {  	v6 =	vmul.f32 v25, v18;
	v23 =	vld.idx.msk [tilespmem:v2+s7+$0x660 ss:$0x1], $0xffff;
	v19 =	vmul.f32 v25, v28;
	v7 =	vadd.f32 v7, v10  }
0x92: {  	v12 =	vld.idx.msk [tilespmem:v2+s7+$0x10610 ss:$0x1], $0xffff;
	v24 =	vmul.f32 v9, v13;
	v4 =	vsub.f32 v4, v11;
	v14 =	vsub.f32 v14, v15  }
0x93: {  	v17 =	vld.idx.msk [tilespmem:v2+s7+$0x8650 ss:$0x1], $0xffff;
	v15 =	vmul.f32 v36, v18;
	v5 =	vadd.f32 v19, v5;
	v19 =	vmul.f32 v25, v30  }
0x94: {  	v10 =	vld.idx.msk [tilespmem:v2+s7+$0x10650 ss:$0x1], $0xffff;
	v18 =	vmul.f32 v40, v18;
	v25 =	vmul.f32 v9, v20  }
0x95: {  	v8 =	vld.idx.msk [tilespmem:v2+s7+$0x620 ss:$0x1], $0xffff;
	v3 =	vadd.f32 v7, v3;
	v4 =	vadd.f32 v6, v4;
	v7 =	vmul.f32 v16, v28  }
0x96: {  	v11 =	vld.idx.msk [tilespmem:v2+s7+$0x640 ss:$0x1], $0xffff;
	v16 =	vmul.f32 v16, v33;
	v14 =	vsub.f32 v14, v15;
	v15 =	vmul.f32 v40, v28  }
0x97: {  	s0 =	simm.s32 $0x18680;
	v6 =	vld.idx.msk [tilespmem:v2+s7+$0x10670 ss:$0x1], $0xffff;
	v5 =	vmul.f32 v5, v22;
	v22 =	vmul.f32 v12, v20  }
0x98: {  	[tilespmem:s0+$0x0] =	vst v3;
	v4 =	vsub.f32 v4, v7;
	v16 =	vadd.f32 v19, v16;
	v19 =	vld.idx.msk [tilespmem:v2+s7+$0x610 ss:$0x1], $0xffff  }
0x99: {  	v14 =	vadd.f32 v14, v15;
	v15 =	vld.idx.msk [tilespmem:v2+s7+$0x630 ss:$0x1], $0xffff;
	v22 =	vadd.f32 v24, v22;
	v24 =	vmul.f32 v10, v17  }
0x9a: {  	v7 =	vld [tilespmem:s0+$0x8];
	v8 =	vmul.f32 v4, v8;
	v16 =	vsub.f32 v16, v18;
	v18 =	vmul.f32 v36, v28  }
0x9b: {  	v5 =	vadd.f32 $0.0e+00, v5;
	v4 =	vld.idx.msk [tilespmem:v2+s8+$0x8670 ss:$0x1], $0xffff;
	v11 =	vmul.f32 v14, v11;
	v14 =	vmul.f32 v12, v13  }
0x9c: {  	v27 =	vmul.f32 v10, v20;
	v22 =	vadd.f32 v24, v22;
	v24 =	vld.idx.msk [tilespmem:v2+s8+$0x10650 ss:$0x1], $0xffff;
	v28 =	vmul.f32 v6, v13  }
0x9d: {  	v26 =	vmul.f32 v6, v17;
	v16 =	vsub.f32 v16, v18;
	v14 =	vsub.f32 v25, v14;
	v25 =	vld.idx.msk [tilespmem:v2+s8+$0x8610 ss:$0x1], $0xffff  }
0x9e: {  	v18 =	vmul.f32 v6, v21;
	v6 =	vmul.f32 v6, v20;
	v20 =	vld.idx.msk [tilespmem:v2+s8+$0x10600 ss:$0x1], $0xffff;
	v27 =	vsub.f32 v27, v28  }
0x9f: {  	v7 =	vadd.f32 v3, v7;
	v3 =	vadd.f32 v8, v5;
	v8 =	vld.idx.msk [tilespmem:v2+s8+$0x10670 ss:$0x1], $0xffff  }
0xa0: {  	v5 =	vld.idx.msk [tilespmem:v2+s8+$0x8650 ss:$0x1], $0xffff;
	v16 =	vmul.f32 v16, v23;
	v18 =	vadd.f32 v18, v22;
	v23 =	vmul.f32 v10, v21  }
0xa1: {  	v22 =	vld.idx.msk [tilespmem:v2+s8+$0x10610 ss:$0x1], $0xffff;
	v14 =	vadd.f32 v26, v14;
	v26 =	vmul.f32 v12, v17;
	v10 =	vmul.f32 v10, v13  }
0xa2: {  	v13 =	vld.idx.msk [tilespmem:v2+s8+$0x10660 ss:$0x1], $0xffff;
	v12 =	vmul.f32 v12, v21;
	(v2sf) =	vpush v7, $0x0;
	v3 =	vadd.f32 v11, v3  }
0xa3: {  	v11 =	vld.idx.msk [tilespmem:v2+s8+$0x10630 ss:$0x1], $0xffff;
	v14 =	vsub.f32 v14, v23;
	v18 =	vmul.f32 v18, v19;
	v19 =	vmul.f32 v9, v21  }
0xa4: {  	v9 =	vmul.f32 v9, v17;
	v17 =	vld.idx.msk [tilespmem:v2+s8+$0x8640 ss:$0x1], $0xffff;
	v23 =	vmul.f32 v24, v4;
	v26 =	vsub.f32 v27, v26  }
0xa5: {  	v21 =	vld.idx.msk [tilespmem:v2+s8+$0x8600 ss:$0x1], $0xffff;
	v6 =	vadd.f32 v6, v10;
	(v2sf) =	vpush v7, $0x1;
	v54 =	vmul.f32 v24, v25  }
0xa6: {  	v27 =	vld.idx.msk [tilespmem:v2+s8+$0x8620 ss:$0x1], $0xffff;
	v55 =	vmul.f32 v20, v29;
	(v2sf) =	vpush v7, $0x2;
	v14 =	vmul.f32 v14, v15  }
0xa7: {  	v10 =	vld.idx.msk [tilespmem:v2+s8+$0x10640 ss:$0x1], $0xffff;
	v3 =	vadd.f32 v3, v16;
	v28 =	vmul.f32 v22, v5;
	v30 =	vmul.f32 v8, v4  }
0xa8: {  	v15 =	vld.idx.msk [tilespmem:v2+s8+$0x10620 ss:$0x1], $0xffff;
	v19 =	vadd.f32 v26, v19;
	v31 =	vmul.f32 v8, v25;
	v53 =	vmul.f32 v8, v5  }
0xa9: {  	v6 =	vsub.f32 v6, v9;
	v56 =	vmul.f32 v24, v5;
	v41 =	vmul.f32 v13, v29  }
0xaa: {  	(v2sf) =	vpush v7, $0x3;
	v16 =	vmul.f32 v11, v4;
	v57 =	vmul.f32 v11, v25  }
0xab: {  	(v2sf) =	vpush v7, $0x4;
	v25 =	vmul.f32 v22, v25;
	v26 =	vmul.f32 v20, v17  }
0xac: {  	v18 =	vadd.f32 v18, v3;
	v9 =	vmul.f32 v20, v21;
	v61 =	vmul.f32 v10, v17  }
0xad: {  	v59 =	vld.idx.msk [tilespmem:v2+s7+$0x650 ss:$0x1], $0xffff;
	v6 =	vsub.f32 v6, v12;
	v20 =	vmul.f32 v20, v27;
	v60 =	vmul.f32 v15, v27  }
0xae: {  	v42 =	vld.idx.msk [tilespmem:v2+s8+$0x8630 ss:$0x1], $0xffff;
	(v2sf) =	vpush v7, $0x5;
	v43 =	vmul.f32 v10, v21;
	v44 =	vmul.f32 v13, v27  }
0xaf: {  	s13 =	simm.s32 $0x20;
	v46 =	vld.idx.msk [tilespmem:v2+s8+$0x620 ss:$0x1], $0xffff;
	(v2sf) =	vpush v7, $0x6;
	v62 =	vmul.f32 v15, v21;
	v9 =	vadd.f32 v60, v9  }
0xb0: {  	s18 =	sand.u32 $0x60, s13;
	v63 =	vmul.f32 v13, v17;
	v13 =	vmul.f32 v13, v21;
	(v2sf) =	vpush v7, $0x7;
	v7 =	vld.idx.msk [tilespmem:v2+s8+$0x600 ss:$0x1], $0xffff  }
0xb1: {  	s14 =	sadd.s32 $0x0, s18;
	v47 =	vld.idx.msk [tilespmem:v2+s8+$0x640 ss:$0x1], $0xffff;
	v5 =	vmul.f32 v11, v5;
	v20 =	vsub.f32 v62, v20;
	v9 =	vadd.f32 v61, v9  }
0xb2: {  	v3 =	vld.idx.msk [tilespmem:v2+s7+$0x670 ss:$0x1], $0xffff;
	s7 =	sshll.u32 s14, $0x7;
	v58 =	vmul.f32 v15, v29;
	v43 =	vsub.f32 v43, v44;
	v21 =	vmul.f32 v10, v27  }
0xb3: {  	v45 =	vld.idx.msk [tilespmem:v2+s7+$0x8600 ss:$0x1], $0xffff;
	v10 =	vmul.f32 v10, v29;
	v20 =	vadd.f32 v63, v20;
	v9 =	vadd.f32 v41, v9  }
0xb4: {  	v48 =	vld.idx.msk [tilespmem:v2+s7+$0x10640 ss:$0x1], $0xffff;
	v29 =	vmul.f32 v11, v42;
	v15 =	vmul.f32 v15, v17;
	v13 =	vadd.f32 v13, v21  }
0xb5: {  	v27 =	vld.idx.msk [tilespmem:v2+s7+$0x8620 ss:$0x1], $0xffff;
	v26 =	vsub.f32 v43, v26;
	v10 =	vsub.f32 v20, v10;
	v7 =	vmul.f32 v9, v7  }
0xb6: {  	v17 =	vld.idx.msk [tilespmem:v2+s8+$0x660 ss:$0x1], $0xffff;
	v13 =	vsub.f32 v13, v15;
	v20 =	vadd.f32 v29, v25;
	v9 =	vmul.f32 v22, v42  }
0xb7: {  	v11 =	vld.idx.msk [tilespmem:v2+s7+$0x8660 ss:$0x1], $0xffff;
	v25 =	vadd.f32 v26, v58;
	s15 =	spop (v2sf);
	v10 =	vmul.f32 v10, v46;
	v7 =	vadd.f32 $0.0e+00, v7  }
0xb8: {  	v8 =	vmul.f32 v8, v42;
	v15 =	vld.idx.msk [tilespmem:v2+s8+$0x610 ss:$0x1], $0xffff;
	v13 =	vsub.f32 v13, v55;
	s10 =	spop (v2sf);
	v9 =	vsub.f32 v57, v9  }
0xb9: {  	v21 =	vld.idx.msk [tilespmem:v2+s7+$0x10600 ss:$0x1], $0xffff;
	v20 =	vadd.f32 v56, v20;
	s9 =	sadd.f32 s10, s15;
	v7 =	vadd.f32 v10, v7;
	v10 =	vmul.f32 v25, v47  }
0xba: {  	v24 =	vmul.f32 v24, v42;
	v8 =	vsub.f32 v54, v8;
	s20 =	spop (v2sf);
	v25 =	vld.idx.msk [tilespmem:v2+s8+$0x630 ss:$0x1], $0xffff;
	v9 =	vadd.f32 v53, v9  }
0xbb: {  	v29 =	vld.idx.msk [tilespmem:v2+s7+$0x8640 ss:$0x1], $0xffff;
	s9 =	sadd.f32 s9, s20;
	v7 =	vadd.f32 v10, v7;
	v10 =	vmul.f32 v13, v17;
	v13 =	vadd.f32 v30, v20  }
0xbc: {  	v4 =	vmul.f32 v22, v4;
	v8 =	vsub.f32 v8, v28;
	s22 =	spop (v2sf);
	v17 =	vld.idx.msk [tilespmem:v2+s8+$0x650 ss:$0x1], $0xffff;
	v20 =	vadd.f32 v31, v24  }
0xbd: {  	v26 =	vld.idx.msk [tilespmem:v2+s7+$0x10620 ss:$0x1], $0xffff;
	s9 =	sadd.f32 s9, s22;
	v9 =	vsub.f32 v9, v23;
	v7 =	vadd.f32 v7, v10;
	v10 =	vmul.f32 v13, v15  }
0xbe: {  	v8 =	vadd.f32 v8, v16;
	v3 =	vmul.f32 v6, v3;
	s24 =	spop (v2sf);
	v13 =	vadd.f32 v14, v18;
	v14 =	vld.idx.msk [tilespmem:v2+s8+$0x670 ss:$0x1], $0xffff  }
0xbf: {  	s9 =	sadd.f32 s9, s24;
	v5 =	vsub.f32 v20, v5;
	v15 =	vld.idx.msk [tilespmem:v2+s7+$0x10660 ss:$0x1], $0xffff;
	v9 =	vmul.f32 v9, v25;
	v7 =	vadd.f32 v10, v7  }
0xc0: {  	v22 =	vmul.f32 v48, v29;
	s25 =	spop (v2sf);
	v18 =	vld.idx.msk [tilespmem:v2+s7+$0x8610 ss:$0x1], $0xffff;
	v10 =	vmul.f32 v19, v59  }
0xc1: {  	v25 =	vld.idx.msk [tilespmem:v2+s7+$0x10650 ss:$0x1], $0xffff;
	s9 =	sadd.f32 s9, s25;
	v4 =	vsub.f32 v5, v4;
	v8 =	vmul.f32 v8, v17;
	v5 =	vadd.f32 v9, v7  }
0xc2: {  	s10 =	simm.s32 $0x0;
	s11 =	spop (v2sf);
	v7 =	vadd.f32 v10, v13;
	v9 =	vmul.f32 v21, v45;
	v10 =	vmul.f32 v26, v27  }
0xc3: {  	v12 =	vmov s10;
	s12 =	sadd.f32 s9, s11;
	v13 =	vmul.f32 v26, v45;
	v4 =	vmul.f32 v4, v14  }
0xc4: {  	v28 =	vld.idx.msk [tilespmem:v2+s7+$0x660 ss:$0x1], $0xffff;
	vm0 =	veq.s32 v12, v1;
	s13 =	spop (v2sf);
	v14 =	vmul.f32 v21, v27;
	v23 =	vmul.f32 v15, v27  }
0xc5: {  	v16 =	vld.idx.msk [tilespmem:v2+s7+$0x600 ss:$0x1], $0xffff;
	s8 =	sadd.f32 s12, s13;
	v5 =	vadd.f32 v8, v5;
	v9 =	vadd.f32 v10, v9;
	v10 =	vmul.f32 v15, v11  }
0xc6: {  	v12 =	vld.idx.msk [tilespmem:v2+s7+$0x8630 ss:$0x1], $0xffff;
	v31 =	vmul.f32 v25, v18;
	v13 =	vsub.f32 v13, v14;
	v14 =	vmul.f32 v15, v29  }
0xc7: {  	v20 =	vld.idx.msk [tilespmem:v2+s7+$0x620 ss:$0x1], $0xffff;
	v15 =	vmul.f32 v15, v45;
	v8 =	vmov s8;
	v9 =	vadd.f32 v22, v9  }
0xc8: {  	s30 =	sor.u32 $0x1C600, s3;
	v19 =	vld.idx.msk [tilespmem:v2+s7+$0x10630 ss:$0x1], $0xffff;
	v4 =	vadd.f32 v5, v4;
	v22 =	vmul.f32 v48, v45;
	v24 =	vnsel vm0, $0x0, v8  }
0xc9: {  	s20 =	simm.s32 $0x18780;
	v17 =	vld.idx.msk [tilespmem:v2+s7+$0x10610 ss:$0x1], $0xffff;
	s11 =	sadd.s32 s19, s30;
	s19 =	simm.s32 $0x0;
	v8 =	vadd.f32 v14, v13;
	v13 =	vmul.f32 v48, v11;
	v9 =	vadd.f32 v10, v9  }
0xca: {  	v62 =	vmov s19;
	v5 =	vld.idx.msk [tilespmem:v2+s7+$0x8650 ss:$0x1], $0xffff;
	[tilespmem:s20+$0x0] =	vst v4;
	v10 =	vsub.f32 v22, v23;
	v22 =	vmul.f32 v21, v29  }
0xcb: {  	s14 =	simm.s32 $0x50;
	v23 =	vld.idx.msk [tilespmem:v2+s7+$0x640 ss:$0x1], $0xffff;
	v8 =	vsub.f32 v8, v13;
	v13 =	vmul.f32 v48, v27;
	v9 =	vmul.f32 v9, v16  }
0xcc: {  	s14 =	sand.u32 $0x70, s14;
	v7 =	vadd.f32 v7, v3;
	v14 =	vld [tilespmem:s20+$0x8];
	v16 =	vmul.f32 v26, v11;
	v26 =	vmul.f32 v26, v29  }
0xcd: {  	s8 =	sadd.s32 $0x0, s14;
	v27 =	vld.idx.msk [tilespmem:v2+s7+$0x8670 ss:$0x1], $0xffff;
	v10 =	vsub.f32 v10, v22;
	v29 =	vmul.f32 v19, v12;
	v11 =	vmul.f32 v21, v11  }
0xce: {  	s8 =	sshll.u32 s8, $0x7;
	v22 =	vld.idx.msk [tilespmem:v2+s7+$0x10670 ss:$0x1], $0xffff;
	v13 =	vadd.f32 v15, v13;
	v15 =	vmul.f32 v17, v18;
	v8 =	vmul.f32 v8, v20  }
0xcf: {  	v51 =	vld.idx.msk [tilespmem:v2+s8+$0x8610 ss:$0x1], $0xffff;
	v21 =	vmul.f32 v25, v5;
	v52 =	vmul.f32 v17, v5;
	v10 =	vadd.f32 v10, v16  }
0xd0: {  	v20 =	vld.idx.msk [tilespmem:v2+s7+$0x630 ss:$0x1], $0xffff;
	v9 =	vadd.f32 $0.0e+00, v9;
	v13 =	vsub.f32 v13, v26;
	v26 =	vmul.f32 v19, v18  }
0xd1: {  	v16 =	vld.idx.msk [tilespmem:v2+s7+$0x610 ss:$0x1], $0xffff;
	v4 =	vadd.f32 v4, v14;
	v14 =	vadd.f32 v29, v15;
	v23 =	vmul.f32 v10, v23  }
0xd2: {  	v15 =	vld.idx.msk [tilespmem:v2+s7+$0x650 ss:$0x1], $0xffff;
	v29 =	vadd.f32 v8, v9;
	v9 =	vmul.f32 v17, v12;
	v50 =	vmul.f32 v25, v27  }
0xd3: {  	v8 =	vld.idx.msk [tilespmem:v2+s8+$0x8670 ss:$0x1], $0xffff;
	v13 =	vsub.f32 v13, v11;
	v30 =	vmul.f32 v22, v27;
	v49 =	vmul.f32 v22, v12  }
0xd4: {  	v10 =	vld.idx.msk [tilespmem:v2+s8+$0x10670 ss:$0x1], $0xffff;
	v18 =	vmul.f32 v22, v18;
	(v2sf) =	vpush v4, $0x0;
	v14 =	vadd.f32 v21, v14  }
0xd5: {  	v11 =	vld.idx.msk [tilespmem:v2+s8+$0x10650 ss:$0x1], $0xffff;
	v21 =	vmul.f32 v22, v5;
	v26 =	vsub.f32 v26, v9;
	v23 =	vadd.f32 v23, v29  }
0xd6: {  	v9 =	vld.idx.msk [tilespmem:v2+s8+$0x8650 ss:$0x1], $0xffff;
	v22 =	vmul.f32 v25, v12;
	(v2sf) =	vpush v4, $0x1;
	v31 =	vsub.f32 v31, v49  }
0xd7: {  	v12 =	vld.idx.msk [tilespmem:v2+s8+$0x10610 ss:$0x1], $0xffff;
	v28 =	vmul.f32 v13, v28;
	(v2sf) =	vpush v4, $0x2;
	v21 =	vadd.f32 v21, v26  }
0xd8: {  	v13 =	vld.idx.msk [tilespmem:v2+s8+$0x10630 ss:$0x1], $0xffff;
	v30 =	vadd.f32 v30, v14;
	v26 =	vmul.f32 v19, v27;
	v25 =	vsub.f32 v31, v52  }
0xd9: {  	v5 =	vmul.f32 v19, v5;
	v19 =	vld.idx.msk [tilespmem:v2+s8+$0x8660 ss:$0x1], $0xffff;
	(v2sf) =	vpush v4, $0x3;
	v21 =	vsub.f32 v21, v50  }
0xda: {  	v17 =	vmul.f32 v17, v27;
	v27 =	vld.idx.msk [tilespmem:v2+s8+$0x10620 ss:$0x1], $0xffff;
	(v2sf) =	vpush v4, $0x4;
	v25 =	vadd.f32 v25, v26  }
0xdb: {  	v31 =	vmul.f32 v10, v51;
	(v2sf) =	vpush v4, $0x5;
	v20 =	vmul.f32 v21, v20;
	v21 =	vld.idx.msk [tilespmem:v2+s8+$0x10600 ss:$0x1], $0xffff  }
0xdc: {  	v16 =	vmul.f32 v30, v16;
	(v2sf) =	vpush v4, $0x6;
	v6 =	vmul.f32 v25, v15;
	v15 =	vld.idx.msk [tilespmem:v2+s8+$0x8640 ss:$0x1], $0xffff  }
0xdd: {  	v29 =	vmul.f32 v11, v8;
	(v2sf) =	vpush v4, $0x7;
	v4 =	vadd.f32 v23, v28;
	v23 =	vld.idx.msk [tilespmem:v2+s8+$0x8600 ss:$0x1], $0xffff  }
0xde: {  	v18 =	vadd.f32 v18, v22;
	v22 =	vld.idx.msk [tilespmem:v2+s8+$0x8620 ss:$0x1], $0xffff;
	v33 =	vmul.f32 v11, v51;
	v30 =	vmul.f32 v12, v9  }
0xdf: {  	v14 =	vld.idx.msk [tilespmem:v2+s8+$0x8630 ss:$0x1], $0xffff;
	v32 =	vmul.f32 v10, v9;
	v54 =	vmul.f32 v11, v9;
	v4 =	vadd.f32 v16, v4  }
0xe0: {  	v5 =	vsub.f32 v18, v5;
	v26 =	vld.idx.msk [tilespmem:v2+s8+$0x10660 ss:$0x1], $0xffff;
	v34 =	vmul.f32 v12, v51;
	v18 =	vmul.f32 v13, v51  }
0xe1: {  	v9 =	vmul.f32 v13, v9;
	v16 =	vld.idx.msk [tilespmem:v2+s8+$0x10640 ss:$0x1], $0xffff;
	v53 =	vmul.f32 v21, v19;
	v20 =	vadd.f32 v20, v4  }
0xe2: {  	v4 =	vsub.f32 v5, v17;
	v17 =	vmul.f32 v21, v15;
	v61 =	vmul.f32 v27, v23  }
0xe3: {  	v6 =	vadd.f32 v6, v20;
	v20 =	vmul.f32 v21, v23;
	v21 =	vmul.f32 v21, v22  }
0xe4: {  	vm1 =	veq.s32 v62, v1;
	[tilespmem:s11+$0x0] =	vst.add.f32.msk $0xffff, v24;
	v24 =	vmul.f32 v13, v14;
	v57 =	vmul.f32 v27, v22  }
0xe5: {  	v63 =	vld.idx.msk [tilespmem:v2+s8+$0x600 ss:$0x1], $0xffff;
	v46 =	vmul.f32 v26, v22;
	v49 =	vmul.f32 v26, v15;
	s15 =	spop (v2sf);
	v21 =	vsub.f32 v61, v21  }
0xe6: {  	s24 =	simm.s32 $0x40;
	v50 =	vld.idx.msk [tilespmem:v2+s8+$0x620 ss:$0x1], $0xffff;
	v58 =	vmul.f32 v16, v15;
	v48 =	vmul.f32 v16, v23;
	v20 =	vadd.f32 v57, v20;
	s22 =	spop (v2sf)  }
0xe7: {  	v51 =	vld.idx.msk [tilespmem:v2+s8+$0x610 ss:$0x1], $0xffff;
	v22 =	vmul.f32 v16, v22;
	v16 =	vmul.f32 v16, v19;
	s9 =	sadd.f32 s22, s15;
	s22 =	sand.u32 $0x60, s24;
	v21 =	vadd.f32 v49, v21  }
0xe8: {  	v56 =	vmul.f32 v27, v19;
	v59 =	vmul.f32 v26, v19;
	v19 =	vld.idx.msk [tilespmem:v2+s8+$0x640 ss:$0x1], $0xffff;
	v20 =	vadd.f32 v58, v20;
	s11 =	sadd.s32 $0x0, s22  }
0xe9: {  	v23 =	vmul.f32 v26, v23;
	s13 =	sshll.u32 s11, $0x7;
	v16 =	vsub.f32 v21, v16;
	v21 =	vadd.f32 v24, v34;
	v24 =	vld.idx.msk [tilespmem:v2+s8+$0x660 ss:$0x1], $0xffff  }
0xea: {  	v25 =	vmul.f32 v13, v8;
	v45 =	vsub.f32 v48, v46;
	v20 =	vadd.f32 v59, v20;
	v3 =	vld.idx.msk [tilespmem:v2+s13+$0x8600 ss:$0x1], $0xffff  }
0xeb: {  	v55 =	vmul.f32 v12, v14;
	v15 =	vmul.f32 v27, v15;
	v22 =	vadd.f32 v23, v22;
	s25 =	spop (v2sf);
	v60 =	vld.idx.msk [tilespmem:v2+s13+$0x8620 ss:$0x1], $0xffff  }
0xec: {  	v28 =	vmul.f32 v10, v8;
	v17 =	vsub.f32 v45, v17;
	s10 =	sadd.f32 s9, s25;
	v47 =	vld.idx.msk [tilespmem:v2+s13+$0x10600 ss:$0x1], $0xffff;
	v20 =	vmul.f32 v20, v63  }
0xed: {  	v10 =	vmul.f32 v10, v14;
	v18 =	vsub.f32 v18, v55;
	s12 =	spop (v2sf);
	v15 =	vsub.f32 v22, v15;
	v23 =	vld.idx.msk [tilespmem:v2+s13+$0x8640 ss:$0x1], $0xffff  }
0xee: {  	v17 =	vadd.f32 v17, v56;
	v22 =	vld.idx.msk [tilespmem:v2+s13+$0x10640 ss:$0x1], $0xffff;
	s3 =	sadd.f32 s10, s12;
	v16 =	vmul.f32 v16, v50;
	v20 =	vadd.f32 $0.0e+00, v20  }
0xef: {  	v11 =	vmul.f32 v11, v14;
	v10 =	vsub.f32 v33, v10;
	s15 =	spop (v2sf);
	v26 =	vld.idx.msk [tilespmem:v2+s13+$0x10620 ss:$0x1], $0xffff;
	v15 =	vsub.f32 v15, v53  }
0xf0: {  	v14 =	vld.idx.msk [tilespmem:v2+s13+$0x10660 ss:$0x1], $0xffff;
	v21 =	vadd.f32 v54, v21;
	v17 =	vmul.f32 v17, v19;
	s3 =	sadd.f32 s3, s15;
	v16 =	vadd.f32 v16, v20  }
0xf1: {  	v8 =	vmul.f32 v12, v8;
	v11 =	vadd.f32 v31, v11;
	v18 =	vadd.f32 v32, v18;
	s24 =	spop (v2sf);
	v19 =	vld.idx.msk [tilespmem:v2+s8+$0x630 ss:$0x1], $0xffff  }
0xf2: {  	v15 =	vmul.f32 v15, v24;
	s3 =	sadd.f32 s3, s24;
	v20 =	vld.idx.msk [tilespmem:v2+s8+$0x650 ss:$0x1], $0xffff;
	v16 =	vadd.f32 v17, v16;
	v17 =	vadd.f32 v28, v21  }
0xf3: {  	v10 =	vsub.f32 v10, v30;
	v9 =	vsub.f32 v11, v9;
	v52 =	vld.idx.msk [tilespmem:v2+s13+$0x8660 ss:$0x1], $0xffff;
	s25 =	spop (v2sf);
	v24 =	vmul.f32 v22, v23  }
0xf4: {  	v13 =	vld.idx.msk [tilespmem:v2+s13+$0x600 ss:$0x1], $0xffff;
	s3 =	sadd.f32 s3, s25;
	v15 =	vadd.f32 v16, v15;
	v16 =	vsub.f32 v18, v29;
	v17 =	vmul.f32 v17, v51  }
0xf5: {  	v10 =	vadd.f32 v10, v25;
	s10 =	spop (v2sf);
	v21 =	vmul.f32 v47, v3;
	v28 =	vmul.f32 v14, v60;
	v18 =	vld.idx.msk [tilespmem:v2+s8+$0x670 ss:$0x1], $0xffff  }
0xf6: {  	v11 =	vld.idx.msk [tilespmem:v2+s13+$0x8610 ss:$0x1], $0xffff;
	s3 =	sadd.f32 s3, s10;
	v12 =	vadd.f32 v17, v15;
	v15 =	vmul.f32 v16, v19;
	v19 =	vmul.f32 v26, v60  }
0xf7: {  	v8 =	vsub.f32 v9, v8;
	v25 =	vld.idx.msk [tilespmem:v2+s13+$0x10610 ss:$0x1], $0xffff;
	v10 =	vmul.f32 v10, v20;
	v20 =	vmul.f32 v47, v60  }
0xf8: {  	v27 =	vmov s3;
	v17 =	vld.idx.msk [tilespmem:v2+s13+$0x8630 ss:$0x1], $0xffff;
	v9 =	vadd.f32 v15, v12;
	v12 =	vadd.f32 v19, v21  }
0xf9: {  	[tilespmem:s0+$0xFFFFFF80] =	vst v7;
	v16 =	vnsel vm1, $0x0, v27;
	v27 =	vmul.f32 v14, v52;
	v15 =	vld.idx.msk [tilespmem:v2+s13+$0x10630 ss:$0x1], $0xffff;
	v19 =	vmul.f32 v26, v3  }
0xfa: {  	v21 =	vld.idx.msk [tilespmem:v2+s13+$0x620 ss:$0x1], $0xffff;
	v8 =	vmul.f32 v8, v18;
	v9 =	vadd.f32 v10, v9;
	v10 =	vadd.f32 v24, v12  }
0xfb: {  	v18 =	vld.idx.msk [tilespmem:v2+s13+$0x8650 ss:$0x1], $0xffff;
	v12 =	vsub.f32 v19, v20;
	v19 =	vmul.f32 v14, v23;
	v24 =	vmul.f32 v22, v3  }
0xfc: {  	v20 =	vld.idx.msk [tilespmem:v2+s13+$0x10650 ss:$0x1], $0xffff;
	v3 =	vmul.f32 v14, v3;
	v14 =	vmul.f32 v22, v60;
	v8 =	vadd.f32 v9, v8  }
0xfd: {  	v9 =	vld.idx.msk [tilespmem:v2+s13+$0x640 ss:$0x1], $0xffff;
	v10 =	vadd.f32 v27, v10;
	v12 =	vadd.f32 v19, v12;
	v19 =	vmul.f32 v22, v52  }
0xfe: {  	v24 =	vsub.f32 v24, v28;
	v27 =	vmul.f32 v47, v23;
	v23 =	vmul.f32 v26, v23;
	v28 =	vld [tilespmem:s0+$0xFFFFFF88]  }
0xff: {  	s3 =	simm.s32 $0x18880;
	v3 =	vadd.f32 v3, v14;
	v14 =	vmul.f32 v25, v11;
	v12 =	vsub.f32 v12, v19;
	v19 =	vld.idx.msk [tilespmem:v2+s13+$0x8670 ss:$0x1], $0xffff  }
0x100: {  	[tilespmem:s3+$0x0] =	vst v8;
	v22 =	vsub.f32 v24, v27;
	v24 =	vmul.f32 v26, v52;
	v26 =	vld.idx.msk [tilespmem:v2+s13+$0x10670 ss:$0x1], $0xffff  }
0x101: {  	s11 =	sadd.s32 s21, s30;
	v10 =	vmul.f32 v10, v13;
	v27 =	vmul.f32 v15, v17;
	v13 =	vld [tilespmem:s3+$0x8]  }
0x102: {  	[tilespmem:s11+$0x0] =	vst.add.f32.msk $0xffff, v16;
	v3 =	vsub.f32 v3, v23;
	v30 =	vmul.f32 v20, v11;
	v16 =	vadd.f32 v22, v24  }
0x103: {  	v5 =	vld.idx.msk [tilespmem:v2+s7+$0x670 ss:$0x1], $0xffff;
	v12 =	vmul.f32 v12, v21;
	v14 =	vadd.f32 v27, v14;
	v24 =	vmul.f32 v20, v18  }
0x104: {  	v29 =	vld.idx.msk [tilespmem:v2+s13+$0x630 ss:$0x1], $0xffff;
	v10 =	vadd.f32 $0.0e+00, v10;
	v22 =	vmul.f32 v47, v52;
	v27 =	vmul.f32 v15, v11  }
0x105: {  	s19 =	simm.s32 $0x70;
	v21 =	vld.idx.msk [tilespmem:v2+s13+$0x660 ss:$0x1], $0xffff;
	v7 =	vadd.f32 v7, v28;
	v9 =	vmul.f32 v16, v9;
	v14 =	vadd.f32 v24, v14  }
0x106: {  	s0 =	sand.u32 $0x70, s19;
	v23 =	vld.idx.msk [tilespmem:v2+s13+$0x610 ss:$0x1], $0xffff;
	v16 =	vmul.f32 v26, v19;
	v24 =	vmul.f32 v26, v18;
	v13 =	vadd.f32 v8, v13  }
0x107: {  	s12 =	sadd.s32 $0x0, s0;
	v8 =	vadd.f32 v12, v10;
	v10 =	vmul.f32 v25, v17;
	v12 =	vsub.f32 v3, v22;
	v22 =	vld.idx.msk [tilespmem:v2+s13+$0x650 ss:$0x1], $0xffff  }
0x108: {  	s7 =	sshll.u32 s12, $0x7;
	v31 =	vmul.f32 v26, v17;
	v11 =	vmul.f32 v26, v11;
	v3 =	vld.idx.msk [tilespmem:v2+s13+$0x670 ss:$0x1], $0xffff;
	(v2sf) =	vpush v13, $0x0  }
0x109: {  	v17 =	vmul.f32 v20, v17;
	s13 =	simm.s32 $0x60;
	v27 =	vsub.f32 v27, v10;
	v10 =	vld.idx.msk [tilespmem:v2+s7+$0x8670 ss:$0x1], $0xffff;
	(v2sf) =	vpush v13, $0x1  }
0x10a: {  	v14 =	vadd.f32 v16, v14;
	s8 =	sand.u32 $0x60, s13;
	s13 =	simm.s32 $0x0;
	v53 =	vadd.f32 v9, v8;
	v21 =	vmul.f32 v12, v21;
	v8 =	vld.idx.msk [tilespmem:v2+s7+$0x8650 ss:$0x1], $0xffff  }
0x10b: {  	v17 =	vadd.f32 v11, v17;
	v11 =	vld.idx.msk [tilespmem:v2+s7+$0x10610 ss:$0x1], $0xffff;
	v59 =	vmov s13;
	(v2sf) =	vpush v13, $0x2  }
0x10c: {  	v9 =	vld.idx.msk [tilespmem:v2+s7+$0x10670 ss:$0x1], $0xffff;
	v23 =	vmul.f32 v14, v23;
	vm2 =	veq.s32 v59, v1;
	v16 =	vadd.f32 v24, v27  }
0x10d: {  	v12 =	vld.idx.msk [tilespmem:v2+s7+$0x10650 ss:$0x1], $0xffff;
	v27 =	vsub.f32 v30, v31;
	v30 =	vmul.f32 v25, v18;
	(v2sf) =	vpush v13, $0x3  }
0x10e: {  	v24 =	vmul.f32 v20, v19;
	v21 =	vadd.f32 v53, v21;
	(v2sf) =	vpush v13, $0x4  }
0x10f: {  	v14 =	vld.idx.msk [tilespmem:v2+s7+$0x10630 ss:$0x1], $0xffff;
	v26 =	vsub.f32 v27, v30;
	v27 =	vmul.f32 v15, v19;
	v15 =	vmul.f32 v15, v18  }
0x110: {  	v20 =	vld.idx.msk [tilespmem:v2+s7+$0x8610 ss:$0x1], $0xffff;
	v24 =	vsub.f32 v16, v24;
	v19 =	vmul.f32 v25, v19;
	v28 =	vmul.f32 v11, v8  }
0x111: {  	v32 =	vld.idx.msk [tilespmem:v2+s7+$0x8620 ss:$0x1], $0xffff;
	(v2sf) =	vpush v13, $0x5;
	v30 =	vmul.f32 v9, v10;
	v33 =	vmul.f32 v9, v8  }
0x112: {  	v16 =	vld.idx.msk [tilespmem:v2+s7+$0x8630 ss:$0x1], $0xffff;
	v18 =	vadd.f32 v23, v21;
	v37 =	vmul.f32 v12, v8;
	v23 =	vmul.f32 v24, v29  }
0x113: {  	v25 =	vld.idx.msk [tilespmem:v2+s7+$0x10660 ss:$0x1], $0xffff;
	v15 =	vsub.f32 v17, v15;
	(v2sf) =	vpush v13, $0x6;
	v17 =	vmul.f32 v4, v5  }
0x114: {  	v54 =	vld.idx.msk [tilespmem:v2+s7+$0x10640 ss:$0x1], $0xffff;
	v21 =	vadd.f32 v26, v27;
	v26 =	vmul.f32 v14, v10;
	v27 =	vmul.f32 v12, v10  }
0x115: {  	v24 =	vld.idx.msk [tilespmem:v2+s7+$0x8660 ss:$0x1], $0xffff;
	(v2sf) =	vpush v13, $0x7;
	v31 =	vmul.f32 v9, v20;
	v34 =	vmul.f32 v12, v20  }
0x116: {  	v29 =	vld.idx.msk [tilespmem:v2+s7+$0x8600 ss:$0x1], $0xffff;
	v38 =	vmul.f32 v14, v20;
	v20 =	vmul.f32 v11, v20;
	v4 =	vadd.f32 v23, v18  }
0x117: {  	v18 =	vmul.f32 v21, v22;
	v22 =	vld.idx.msk [tilespmem:v2+s7+$0x10600 ss:$0x1], $0xffff;
	v5 =	vsub.f32 v15, v19;
	v6 =	vadd.f32 v6, v17;
	s15 =	spop (v2sf)  }
0x118: {  	v17 =	vld.idx.msk [tilespmem:v2+s7+$0x10620 ss:$0x1], $0xffff;
	(v2sf) =	vpush v7, $0x0;
	v55 =	vmul.f32 v14, v16;
	v51 =	vmul.f32 v25, v32;
	s21 =	spop (v2sf)  }
0x119: {  	v49 =	vld.idx.msk [tilespmem:v2+s7+$0x600 ss:$0x1], $0xffff;
	(v2sf) =	vpush v7, $0x1;
	v9 =	vmul.f32 v9, v16;
	v12 =	vmul.f32 v12, v16;
	s10 =	sadd.f32 s21, s15  }
0x11a: {  	s24 =	sadd.s32 $0x0, s8;
	v19 =	vld.idx.msk [tilespmem:v2+s7+$0x8640 ss:$0x1], $0xffff;
	v14 =	vmul.f32 v14, v8;
	v4 =	vadd.f32 v18, v4;
	(v2sf) =	vpush v7, $0x2;
	s25 =	spop (v2sf)  }
0x11b: {  	v63 =	vld.idx.msk [tilespmem:v2+s7+$0x620 ss:$0x1], $0xffff;
	s9 =	sshll.u32 s24, $0x7;
	v58 =	vmul.f32 v25, v24;
	v50 =	vmul.f32 v54, v29;
	(v2sf) =	vpush v7, $0x3;
	s10 =	sadd.f32 s10, s25  }
0x11c: {  	v47 =	vld.idx.msk [tilespmem:v2+s9+$0x10640 ss:$0x1], $0xffff;
	v20 =	vadd.f32 v55, v20;
	v36 =	vmul.f32 v22, v24;
	(v2sf) =	vpush v7, $0x4;
	s12 =	spop (v2sf)  }
0x11d: {  	v53 =	vld.idx.msk [tilespmem:v2+s9+$0x10660 ss:$0x1], $0xffff;
	v56 =	vmul.f32 v22, v29;
	v57 =	vmul.f32 v17, v32;
	(v2sf) =	vpush v7, $0x5;
	s10 =	sadd.f32 s10, s12  }
0x11e: {  	v13 =	vld.idx.msk [tilespmem:v2+s9+$0x10600 ss:$0x1], $0xffff;
	v60 =	vmul.f32 v17, v29;
	v48 =	vmul.f32 v22, v32;
	(v2sf) =	vpush v7, $0x6;
	s12 =	spop (v2sf)  }
0x11f: {  	v15 =	vld.idx.msk [tilespmem:v2+s9+$0x8600 ss:$0x1], $0xffff;
	v43 =	vadd.f32 v57, v56;
	(v2sf) =	vpush v7, $0x7;
	v7 =	vmul.f32 v54, v19;
	s10 =	sadd.f32 s10, s12  }
0x120: {  	v21 =	vld.idx.msk [tilespmem:v2+s9+$0x10620 ss:$0x1], $0xffff;
	v34 =	vsub.f32 v34, v9;
	v40 =	vmul.f32 v17, v24;
	v41 =	vmul.f32 v22, v19;
	s15 =	spop (v2sf)  }
0x121: {  	v23 =	vld.idx.msk [tilespmem:v2+s9+$0x8640 ss:$0x1], $0xffff;
	v62 =	vmul.f32 v25, v19;
	v61 =	vsub.f32 v60, v48;
	v7 =	vadd.f32 v7, v43;
	s10 =	sadd.f32 s10, s15  }
0x122: {  	v8 =	vld.idx.msk [tilespmem:v2+s9+$0x10610 ss:$0x1], $0xffff;
	v52 =	vsub.f32 v50, v51;
	v25 =	vmul.f32 v25, v29;
	v29 =	vmul.f32 v54, v32;
	s21 =	spop (v2sf)  }
0x123: {  	v18 =	vld.idx.msk [tilespmem:v2+s9+$0x8620 ss:$0x1], $0xffff;
	v24 =	vmul.f32 v54, v24;
	v43 =	vadd.f32 v62, v61;
	v7 =	vadd.f32 v58, v7;
	s10 =	sadd.f32 s10, s21  }
0x124: {  	v17 =	vmul.f32 v17, v19;
	v41 =	vsub.f32 v52, v41;
	v25 =	vadd.f32 v25, v29;
	v54 =	vld.idx.msk [tilespmem:v2+s7+$0x640 ss:$0x1], $0xffff;
	s24 =	spop (v2sf)  }
0x125: {  	v55 =	vld.idx.msk [tilespmem:v2+s7+$0x660 ss:$0x1], $0xffff;
	v12 =	vadd.f32 v31, v12;
	v19 =	vsub.f32 v43, v24;
	v24 =	vmul.f32 v7, v49;
	s10 =	sadd.f32 s10, s24  }
0x126: {  	v39 =	vmul.f32 v11, v16;
	v9 =	vld.idx.msk [tilespmem:v2+s9+$0x8630 ss:$0x1], $0xffff;
	v40 =	vadd.f32 v41, v40;
	v17 =	vsub.f32 v25, v17  }
0x127: {  	v22 =	vld.idx.msk [tilespmem:v2+s9+$0x8660 ss:$0x1], $0xffff;
	v19 =	vmul.f32 v19, v63;
	v24 =	vadd.f32 $0.0e+00, v24;
	v25 =	vmov s10  }
0x128: {  	v20 =	vadd.f32 v37, v20;
	v56 =	vld.idx.msk [tilespmem:v2+s7+$0x610 ss:$0x1], $0xffff;
	v57 =	vsub.f32 v38, v39;
	s25 =	sadd.s32 s14, s30;
	v25 =	vnsel vm2, $0x0, v25  }
0x129: {  	v17 =	vsub.f32 v17, v36;
	v19 =	vadd.f32 v19, v24;
	v24 =	vmul.f32 v40, v54;
	[tilespmem:s25+$0x0] =	vst.add.f32.msk $0xffff, v25  }
0x12a: {  	v12 =	vsub.f32 v12, v14;
	v14 =	vmul.f32 v11, v10;
	v33 =	vadd.f32 v33, v57;
	v25 =	vld.idx.msk [tilespmem:v2+s7+$0x630 ss:$0x1], $0xffff  }
0x12b: {  	v10 =	vld.idx.msk [tilespmem:v2+s9+$0x10630 ss:$0x1], $0xffff;
	v17 =	vmul.f32 v17, v55;
	v16 =	vadd.f32 v24, v19;
	v19 =	vadd.f32 v30, v20  }
0x12c: {  	v31 =	vmul.f32 v47, v15;
	v59 =	vmul.f32 v13, v23;
	v20 =	vld.idx.msk [tilespmem:v2+s7+$0x650 ss:$0x1], $0xffff;
	v24 =	vsub.f32 v34, v28  }
0x12d: {  	v11 =	vld.idx.msk [tilespmem:v2+s9+$0x8650 ss:$0x1], $0xffff;
	v16 =	vadd.f32 v16, v17;
	v17 =	vsub.f32 v33, v27;
	v19 =	vmul.f32 v19, v56  }
0x12e: {  	v61 =	vmul.f32 v21, v23;
	s11 =	spop (v2sf);
	v58 =	vmul.f32 v53, v18;
	v27 =	vld.idx.msk [tilespmem:v2+s7+$0x670 ss:$0x1], $0xffff  }
0x12f: {  	v29 =	vld.idx.msk [tilespmem:v2+s9+$0x600 ss:$0x1], $0xffff;
	s12 =	spop (v2sf);
	v24 =	vadd.f32 v24, v26;
	v16 =	vadd.f32 v19, v16;
	v17 =	vmul.f32 v17, v25  }
0x130: {  	v12 =	vsub.f32 v12, v14;
	v14 =	vld.idx.msk [tilespmem:v2+s9+$0x10650 ss:$0x1], $0xffff;
	v28 =	vmul.f32 v13, v15;
	s7 =	sadd.f32 s12, s11;
	v19 =	vmul.f32 v21, v18  }
0x131: {  	v7 =	vld.idx.msk [tilespmem:v2+s9+$0x8610 ss:$0x1], $0xffff;
	s13 =	spop (v2sf);
	v25 =	vmul.f32 v47, v23;
	v16 =	vadd.f32 v17, v16;
	v17 =	vmul.f32 v24, v20  }
0x132: {  	v26 =	vld.idx.msk [tilespmem:v2+s9+$0x620 ss:$0x1], $0xffff;
	s7 =	sadd.f32 s7, s13;
	v20 =	vadd.f32 v19, v28;
	v24 =	vmul.f32 v21, v15;
	v28 =	vmul.f32 v13, v18  }
0x133: {  	s14 =	spop (v2sf);
	v19 =	vld.idx.msk [tilespmem:v2+s9+$0x640 ss:$0x1], $0xffff;
	v15 =	vmul.f32 v53, v15;
	v16 =	vadd.f32 v17, v16;
	v17 =	vmul.f32 v12, v27  }
0x134: {  	s7 =	sadd.f32 s7, s14;
	v18 =	vmul.f32 v47, v18;
	v12 =	vld.idx.msk [tilespmem:v2+s9+$0x8670 ss:$0x1], $0xffff;
	v27 =	vsub.f32 v24, v28;
	v28 =	vmul.f32 v53, v23  }
0x135: {  	v30 =	vmul.f32 v53, v22;
	s15 =	spop (v2sf);
	v25 =	vadd.f32 v25, v20;
	v20 =	vld.idx.msk [tilespmem:v2+s9+$0x10670 ss:$0x1], $0xffff;
	v24 =	vadd.f32 v16, v17  }
0x136: {  	s7 =	sadd.f32 s7, s15;
	s15 =	simm.s32 $0x18980;
	v15 =	vadd.f32 v15, v18;
	v18 =	vld.idx.msk [tilespmem:v2+s9+$0x650 ss:$0x1], $0xffff;
	v27 =	vadd.f32 v28, v27;
	v28 =	vmul.f32 v47, v22  }
0x137: {  	vm0 =	vmmov vm0;
	v31 =	vsub.f32 v31, v58;
	s21 =	spop (v2sf);
	v23 =	vld.idx.msk [tilespmem:v2+s9+$0x670 ss:$0x1], $0xffff;
	v30 =	vadd.f32 v30, v25;
	[tilespmem:s15+$0x0] =	vst v24  }
0x138: {  	vm0 =	vmmov vm0;
	s7 =	sadd.f32 s7, s21;
	v60 =	vsub.f32 v27, v28;
	v27 =	vld [tilespmem:s15+$0x8]  }
0x139: {  	s31 =	sadd.s32 s31, s30;
	s24 =	spop (v2sf);
	v16 =	vld.idx.msk [tilespmem:v2+s9+$0x660 ss:$0x1], $0xffff;
	v29 =	vmul.f32 v30, v29;
	v28 =	vsub.f32 v31, v59;
	v30 =	vmul.f32 v21, v22  }
0x13a: {  	vm1 =	vmmov vm1;
	[tilespmem:s20+$0xFFFFFF80] =	vst v6;
	v63 =	vmul.f32 v10, v9;
	v62 =	vmul.f32 v8, v7;
	s25 =	spop (v2sf);
	s14 =	simm.s32 $0x18980;
	v25 =	vld.idx.msk [tilespmem:v2+s9+$0x610 ss:$0x1], $0xffff;
	s10 =	sadd.f32 s7, s24  }
0x13b: {  	s21 =	sadd.s32 s8, s30;
	v17 =	vld [tilespmem:s20+$0xFFFFFF88];
	s20 =	sadd.s32 s18, s30;
	s18 =	sadd.s32 s22, s30;
	v28 =	vadd.f32 v28, v30;
	v30 =	vadd.f32 $0.0e+00, v29;
	v31 =	vmul.f32 v60, v26  }
0x13c: {  	s22 =	simm.s32 $0x0;
	s7 =	simm.s32 $0x6;
	v21 =	vld.idx.msk [tilespmem:v2+s9+$0x630 ss:$0x1], $0xffff;
	s10 =	sadd.f32 s10, s25;
	v29 =	vsub.f32 v15, v61;
	v15 =	vmul.f32 v13, v22;
	v13 =	vadd.f32 v63, v62  }
.LBB2_3:
0x13d: {  	v22 =	vmul.f32 v14, v11;
	v26 =	vmul.f32 v10, v7;
	v27 =	vadd.f32 v24, v27  }
0x13e: {  	s7 =	sadd.s32 $0x2, s7;
	s19 =	sadd.s32 $0x20, s19;
	vm3 =	vmmov vm0;
	vm0 =	vmmov vm1;
	vm1 =	vmmov vm2;
	s8 =	smov.u32 s21  }
0x13f: {  	v24 =	vadd.f32 v31, v30;
	v19 =	vmul.f32 v28, v19;
	v28 =	vmul.f32 v8, v9;
	s9 =	sadd.s32 $0xFFFFFFF0, s19;
	s13 =	sshrl.u32 s7, $0x3;
	s12 =	sand.u32 $0x70, s19  }
0x140: {  	p2 =	slt.u32 s7, $0x7E;
	v15 =	vsub.f32 v29, v15;
	v29 =	vmul.f32 v20, v12;
	s9 =	sand.u32 $0x60, s9;
	s11 =	sadd.s32 s13, s12;
	(v2sf) =	vpush v27, $0x0  }
0x141: {  	v31 =	vmul.f32 v20, v11;
	v30 =	vadd.f32 v22, v13;
	s24 =	sadd.s32 s13, s9;
	s21 =	sadd.s32 s9, s30;
	s11 =	sshll.u32 s11, $0x7;
	(v2sf) =	vpush v27, $0x1  }
0x142: {  	v32 =	vmul.f32 v20, v9;
	v26 =	vsub.f32 v26, v28;
	v28 =	vmul.f32 v14, v7;
	s9 =	sshll.u32 s24, $0x7;
	v13 =	vld.idx.msk [tilespmem:v2+s11+$0x8670 ss:$0x1], $0xffff  }
0x143: {  	v24 =	vadd.f32 v19, v24;
	v15 =	vmul.f32 v15, v16;
	v22 =	vld.idx.msk [tilespmem:v2+s11+$0x10670 ss:$0x1], $0xffff;
	(v2sf) =	vpush v27, $0x2  }
0x144: {  	v29 =	vadd.f32 v29, v30;
	v26 =	vadd.f32 v31, v26;
	v30 =	vmul.f32 v14, v12;
	v16 =	vld.idx.msk [tilespmem:v2+s11+$0x8650 ss:$0x1], $0xffff  }
0x145: {  	v28 =	vsub.f32 v28, v32;
	v31 =	vmul.f32 v8, v11;
	v19 =	vld.idx.msk [tilespmem:v2+s11+$0x10650 ss:$0x1], $0xffff;
	(v2sf) =	vpush v27, $0x3  }
0x146: {  	v9 =	vmul.f32 v14, v9;
	v7 =	vmul.f32 v20, v7;
	v15 =	vadd.f32 v24, v15;
	v32 =	vld.idx.msk [tilespmem:v2+s11+$0x8610 ss:$0x1], $0xffff  }
0x147: {  	v26 =	vsub.f32 v26, v30;
	v25 =	vmul.f32 v29, v25;
	v24 =	vld.idx.msk [tilespmem:v2+s11+$0x8630 ss:$0x1], $0xffff;
	(v2sf) =	vpush v27, $0x4  }
0x148: {  	v7 =	vadd.f32 v7, v9;
	v28 =	vsub.f32 v28, v31;
	v29 =	vmul.f32 v10, v12;
	v20 =	vld.idx.msk [tilespmem:v2+s11+$0x10630 ss:$0x1], $0xffff  }
0x149: {  	v9 =	vmul.f32 v10, v11;
	v10 =	vadd.f32 v25, v15;
	v14 =	vld.idx.msk [tilespmem:v2+s11+$0x10610 ss:$0x1], $0xffff;
	(v2sf) =	vpush v27, $0x5  }
0x14a: {  	v8 =	vmul.f32 v8, v12;
	v11 =	vadd.f32 v28, v29;
	v12 =	vmul.f32 v26, v21;
	v30 =	vld.idx.msk [tilespmem:v2+s11+$0x8660 ss:$0x1], $0xffff  }
0x14b: {  	v7 =	vsub.f32 v7, v9;
	v9 =	vmul.f32 v5, v3;
	v3 =	vmovc v23;
	v29 =	vld.idx.msk [tilespmem:v2+s11+$0x10660 ss:$0x1], $0xffff;
	(v2sf) =	vpush v27, $0x6  }
0x14c: {  	v31 =	vadd.f32 v6, v17;
	v10 =	vadd.f32 v12, v10;
	v15 =	vmul.f32 v11, v18;
	v26 =	vld.idx.msk [tilespmem:v2+s11+$0x10600 ss:$0x1], $0xffff  }
0x14d: {  	v5 =	vsub.f32 v7, v8;
	v12 =	vmov s10;
	v33 =	vld.idx.msk [tilespmem:v2+s11+$0x8640 ss:$0x1], $0xffff;
	(v2sf) =	vpush v27, $0x7  }
0x14e: {  	v6 =	vadd.f32 v4, v9;
	v4 =	vadd.f32 v15, v10;
	v11 =	vmul.f32 v20, v13;
	v7 =	vld.idx.msk [tilespmem:v2+s11+$0x10620 ss:$0x1], $0xffff  }
0x14f: {  	v10 =	vmul.f32 v19, v13;
	v25 =	vmul.f32 v14, v16;
	v8 =	vld.idx.msk [tilespmem:v2+s11+$0x8600 ss:$0x1], $0xffff;
	s10 =	spop (v2sf);
	(v2sf) =	vpush v31, $0x0  }
0x150: {  	v34 =	vmul.f32 v22, v13;
	v28 =	vmul.f32 v22, v32;
	v9 =	vld.idx.msk [tilespmem:v2+s11+$0x8620 ss:$0x1], $0xffff;
	s24 =	spop (v2sf);
	[tilespmem:s3+$0xFFFFFF80] =	vst v6;
	(v2sf) =	vpush v31, $0x1  }
0x151: {  	v36 =	vmul.f32 v22, v16;
	v37 =	vmul.f32 v19, v32;
	v35 =	vld.idx.msk [tilespmem:v2+s11+$0x10640 ss:$0x1], $0xffff;
	s10 =	sadd.f32 s24, s10;
	(v2sf) =	vpush v31, $0x2  }
0x152: {  	v39 =	vmul.f32 v19, v16;
	v38 =	vmul.f32 v26, v30;
	v17 =	vld.idx.msk [tilespmem:v2+s9+$0x8600 ss:$0x1], $0xffff;
	s24 =	spop (v2sf);
	(v2sf) =	vpush v31, $0x3  }
0x153: {  	v40 =	vmul.f32 v20, v32;
	v41 =	vmul.f32 v14, v24;
	v18 =	vld.idx.msk [tilespmem:v2+s9+$0x8620 ss:$0x1], $0xffff;
	s10 =	sadd.f32 s10, s24;
	(v2sf) =	vpush v31, $0x4  }
0x154: {  	v32 =	vmul.f32 v14, v32;
	v42 =	vmul.f32 v7, v30;
	v15 =	vld.idx.msk [tilespmem:v2+s9+$0x10600 ss:$0x1], $0xffff;
	s24 =	spop (v2sf);
	(v2sf) =	vpush v31, $0x5  }
0x155: {  	v44 =	vmul.f32 v20, v24;
	v43 =	vmul.f32 v26, v33;
	v21 =	vld.idx.msk [tilespmem:v2+s9+$0x10620 ss:$0x1], $0xffff;
	s10 =	sadd.f32 s10, s24;
	(v2sf) =	vpush v31, $0x6  }
0x156: {  	v45 =	vmul.f32 v26, v8;
	v46 =	vmul.f32 v7, v9;
	v23 =	vld.idx.msk [tilespmem:v2+s9+$0x8640 ss:$0x1], $0xffff;
	s24 =	spop (v2sf);
	(v2sf) =	vpush v31, $0x7  }
0x157: {  	v48 =	vmov s22;
	s22 =	smov.u32 s13;
	v47 =	vmul.f32 v29, v30;
	v31 =	vmul.f32 v35, v33;
	v27 =	vld.idx.msk [tilespmem:v2+s9+$0x10640 ss:$0x1], $0xffff;
	s10 =	sadd.f32 s10, s24  }
0x158: {  	v50 =	vmul.f32 v26, v9;
	v45 =	vadd.f32 v46, v45;
	v46 =	vmul.f32 v7, v8;
	v49 =	vld.idx.msk [tilespmem:v2+s11+$0x600 ss:$0x1], $0xffff;
	s13 =	spop (v2sf)  }
0x159: {  	vm2 =	veq.s32 v48, v1;
	v52 =	vmul.f32 v29, v9;
	v51 =	vmul.f32 v35, v8;
	v26 =	vld.idx.msk [tilespmem:v2+s9+$0x8660 ss:$0x1], $0xffff;
	s10 =	sadd.f32 s10, s13  }
0x15a: {  	v31 =	vadd.f32 v31, v45;
	v45 =	vsub.f32 v46, v50;
	v46 =	vmul.f32 v29, v33;
	v48 =	vld.idx.msk [tilespmem:v2+s11+$0x620 ss:$0x1], $0xffff;
	s13 =	spop (v2sf)  }
0x15b: {  	v9 =	vmul.f32 v35, v9;
	v8 =	vmul.f32 v29, v8;
	v51 =	vsub.f32 v51, v52;
	v50 =	vld.idx.msk [tilespmem:v2+s9+$0x10660 ss:$0x1], $0xffff;
	s10 =	sadd.f32 s10, s13  }
0x15c: {  	v30 =	vmul.f32 v35, v30;
	v31 =	vadd.f32 v47, v31;
	v45 =	vadd.f32 v46, v45;
	v29 =	vld.idx.msk [tilespmem:v2+s11+$0x640 ss:$0x1], $0xffff;
	s13 =	spop (v2sf)  }
0x15d: {  	v8 =	vadd.f32 v8, v9;
	v9 =	vmul.f32 v7, v33;
	v43 =	vsub.f32 v51, v43;
	v35 =	vld.idx.msk [tilespmem:v2+s9+$0x600 ss:$0x1], $0xffff;
	s10 =	sadd.f32 s10, s13  }
0x15e: {  	v32 =	vadd.f32 v44, v32;
	v30 =	vsub.f32 v45, v30;
	v31 =	vmul.f32 v31, v49;
	v33 =	vld.idx.msk [tilespmem:v2+s11+$0x660 ss:$0x1], $0xffff;
	s13 =	spop (v2sf)  }
0x15f: {  	v8 =	vsub.f32 v8, v9;
	v42 =	vadd.f32 v43, v42;
	v7 =	vld.idx.msk [tilespmem:v2+s9+$0x8610 ss:$0x1], $0xffff;
	v9 =	vmov s10;
	s10 =	spop (v2sf)  }
0x160: {  	s0 =	sadd.s32 s0, s30;
	v31 =	vadd.f32 $0.0e+00, v31;
	v30 =	vmul.f32 v30, v48;
	v43 =	vld.idx.msk [tilespmem:v2+s11+$0x610 ss:$0x1], $0xffff;
	v9 =	vnsel vm2, $0x0, v9;
	s10 =	sadd.f32 s10, s13;
	s13 =	spop (v2sf)  }
0x161: {  	v22 =	vmul.f32 v22, v24;
	v32 =	vadd.f32 v39, v32;
	v39 =	vsub.f32 v40, v41;
	[tilespmem:s0+$0x0] =	vst.add.f32.msk $0xffff, v9;
	s24 =	spop (v2sf);
	s0 =	smov.u32 s12  }
0x162: {  	v8 =	vsub.f32 v8, v38;
	v30 =	vadd.f32 v30, v31;
	v29 =	vmul.f32 v42, v29;
	v31 =	vld.idx.msk [tilespmem:v2+s11+$0x630 ss:$0x1], $0xffff;
	s10 =	sadd.f32 s10, s13;
	s12 =	spop (v2sf)  }
0x163: {  	v19 =	vmul.f32 v19, v24;
	v22 =	vsub.f32 v37, v22;
	v36 =	vadd.f32 v36, v39;
	v9 =	vld.idx.msk [tilespmem:v2+s9+$0x8630 ss:$0x1], $0xffff;
	s13 =	spop (v2sf)  }
0x164: {  	v32 =	vadd.f32 v34, v32;
	v24 =	vadd.f32 v29, v30;
	v29 =	vmul.f32 v8, v33;
	v30 =	vld.idx.msk [tilespmem:v2+s11+$0x650 ss:$0x1], $0xffff;
	s10 =	sadd.f32 s10, s24;
	s24 =	spop (v2sf)  }
0x165: {  	v19 =	vadd.f32 v28, v19;
	v16 =	vmul.f32 v20, v16;
	v22 =	vsub.f32 v22, v25;
	v8 =	vld.idx.msk [tilespmem:v2+s9+$0x10610 ss:$0x1], $0xffff;
	s25 =	spop (v2sf)  }
0x166: {  	v25 =	vsub.f32 v36, v10;
	v20 =	vadd.f32 v24, v29;
	v28 =	vmul.f32 v32, v43;
	v24 =	vld.idx.msk [tilespmem:v2+s11+$0x670 ss:$0x1], $0xffff;
	s10 =	sadd.f32 s10, s12  }
0x167: {  	v13 =	vmul.f32 v14, v13;
	v16 =	vsub.f32 v19, v16;
	v29 =	vmul.f32 v15, v17;
	v10 =	vld.idx.msk [tilespmem:v2+s9+$0x10630 ss:$0x1], $0xffff  }
0x168: {  	v19 =	vadd.f32 v22, v11;
	v20 =	vadd.f32 v28, v20;
	v22 =	vmul.f32 v25, v31;
	v32 =	vld.idx.msk [tilespmem:v2+s9+$0x620 ss:$0x1], $0xffff;
	s10 =	sadd.f32 s10, s13  }
0x169: {  	v33 =	vnsel vm3, $0x0, v12;
	v25 =	vmul.f32 v21, v18;
	v28 =	vmul.f32 v27, v23;
	v11 =	vld.idx.msk [tilespmem:v2+s9+$0x8650 ss:$0x1], $0xffff  }
0x16a: {  	v13 =	vsub.f32 v16, v13;
	v16 =	vadd.f32 v22, v20;
	v20 =	vmul.f32 v19, v30;
	v14 =	vld.idx.msk [tilespmem:v2+s9+$0x10650 ss:$0x1], $0xffff;
	s10 =	sadd.f32 s10, s24  }
0x16b: {  	v22 =	vadd.f32 v25, v29;
	v25 =	vmul.f32 v21, v17;
	v29 =	vmul.f32 v15, v18;
	v19 =	vld.idx.msk [tilespmem:v2+s9+$0x640 ss:$0x1], $0xffff  }
0x16c: {  	v30 =	vmul.f32 v50, v26;
	v31 =	vadd.f32 v20, v16;
	v13 =	vmul.f32 v13, v24;
	v12 =	vld.idx.msk [tilespmem:v2+s9+$0x8670 ss:$0x1], $0xffff;
	s10 =	sadd.f32 s10, s25  }
0x16d: {  	v22 =	vadd.f32 v28, v22;
	v25 =	vsub.f32 v25, v29;
	v28 =	vmul.f32 v50, v23;
	v20 =	vld.idx.msk [tilespmem:v2+s9+$0x10670 ss:$0x1], $0xffff  }
0x16e: {  	v34 =	vmul.f32 v50, v18;
	v29 =	vmul.f32 v27, v17;
	v24 =	vadd.f32 v31, v13;
	v16 =	vld.idx.msk [tilespmem:v2+s9+$0x660 ss:$0x1], $0xffff  }
0x16f: {  	s15 =	sadd.s32 $0x100, s15;
	v13 =	vadd.f32 v30, v22;
	v22 =	vadd.f32 v28, v25;
	v28 =	vmul.f32 v27, v26;
	v25 =	vld.idx.msk [tilespmem:v2+s9+$0x610 ss:$0x1], $0xffff  }
0x170: {  	v29 =	vsub.f32 v29, v34;
	v30 =	vmul.f32 v15, v23;
	v31 =	vmul.f32 v50, v17;
	[tilespmem:s15+$0x0] =	vst v24;
	v17 =	vld [tilespmem:s3+$0xFFFFFF88];
	s3 =	smov.u32 s14;
	s14 =	smov.u32 s15  }
.Ltmp0:
0x171: {  	v18 =	vmul.f32 v27, v18;
	v22 =	vsub.f32 v22, v28;
	v13 =	vmul.f32 v13, v35;
	v27 =	vld [tilespmem:s15+$0x8];
	(pc) =	sbr.rel @p2 .LBB2_3-.Ltmp0, $4  }
0x172: {  	v34 =	vmul.f32 v21, v23;
	v28 =	vsub.f32 v29, v30;
	v29 =	vmul.f32 v21, v26;
	v21 =	vld.idx.msk [tilespmem:v2+s9+$0x630 ss:$0x1], $0xffff  }
0x173: {  	v36 =	vmul.f32 v8, v7;
	v37 =	vmul.f32 v10, v9;
	v35 =	vadd.f32 v31, v18;
	v18 =	vld.idx.msk [tilespmem:v2+s9+$0x650 ss:$0x1], $0xffff  }
0x174: {  	v28 =	vadd.f32 v28, v29;
	v30 =	vadd.f32 $0.0e+00, v13;
	v31 =	vmul.f32 v22, v32;
	v23 =	vld.idx.msk [tilespmem:v2+s9+$0x670 ss:$0x1], $0xffff  }
0x175: {  	v15 =	vmul.f32 v15, v26;
	v29 =	vsub.f32 v35, v34;
	v13 =	vadd.f32 v37, v36;
	[tilespmem:s31+$0x0] =	vst.add.f32.msk $0xffff, v33;
	s31 =	smov.u32 s20;
	s20 =	smov.u32 s18;
	s18 =	smov.u32 s8  }
0x176: {  	v2 =	vmul.f32 v14, v11  }
0x177: {  	v22 =	vmul.f32 v10, v7;
	v24 =	vadd.f32 v24, v27;
	v19 =	vmul.f32 v28, v19  }
0x178: {  	v26 =	vadd.f32 v31, v30;
	v43 =	vmul.f32 v8, v9;
	v44 =	vmul.f32 v20, v12  }
0x179: {  	v46 =	vmul.f32 v14, v7;
	v47 =	vmul.f32 v20, v9;
	v6 =	vadd.f32 v6, v17  }
0x17a: {  	v51 =	vmul.f32 v20, v7;
	v15 =	vsub.f32 v29, v15;
	(v2sf) =	vpush v24, $0x0  }
0x17b: {  	v52 =	vmul.f32 v14, v9;
	v2 =	vadd.f32 v2, v13;
	v22 =	vsub.f32 v22, v43  }
0x17c: {  	v3 =	vmul.f32 v5, v3;
	v19 =	vadd.f32 v19, v26;
	v49 =	vsub.f32 v46, v47  }
0x17d: {  	v45 =	vmul.f32 v20, v11;
	v7 =	vadd.f32 v51, v52;
	(v2sf) =	vpush v24, $0x1  }
0x17e: {  	v50 =	vmul.f32 v8, v11;
	v3 =	vadd.f32 v4, v3;
	(v2sf) =	vpush v24, $0x2  }
0x17f: {  	v55 =	vmul.f32 v10, v11;
	v2 =	vadd.f32 v44, v2;
	v13 =	vadd.f32 v45, v22  }
0x180: {  	v15 =	vmul.f32 v15, v16;
	v53 =	vsub.f32 v49, v50;
	(v2sf) =	vpush v24, $0x3  }
0x181: {  	v48 =	vmul.f32 v14, v12;
	v7 =	vsub.f32 v7, v55;
	(v2sf) =	vpush v24, $0x4  }
0x182: {  	v54 =	vmul.f32 v10, v12;
	v15 =	vadd.f32 v19, v15;
	(v2sf) =	vpush v24, $0x5  }
0x183: {  	v13 =	vsub.f32 v13, v48;
	v2 =	vmul.f32 v2, v25;
	(v2sf) =	vpush v24, $0x6  }
0x184: {  	v58 =	vmul.f32 v8, v12;
	[tilespmem:s3+$0xFFFFFF80] =	vst v3;
	v56 =	vadd.f32 v53, v54;
	(v2sf) =	vpush v24, $0x7  }
0x185: {  	v59 =	vld [tilespmem:s3+$0xFFFFFF88];
	v2 =	vadd.f32 v2, v15;
	v57 =	vmul.f32 v13, v21;
	(v2sf) =	vpush v6, $0x0  }
0x186: {  	v7 =	vsub.f32 v7, v58;
	(v2sf) =	vpush v6, $0x1  }
0x187: {  	v4 =	vmul.f32 v56, v18;
	v2 =	vadd.f32 v57, v2;
	(v2sf) =	vpush v6, $0x2  }
0x188: {  	(v2sf) =	vpush v6, $0x3  }
0x189: {  	v60 =	vmul.f32 v7, v23;
	v2 =	vadd.f32 v4, v2;
	(v2sf) =	vpush v6, $0x4  }
0x18a: {  	v3 =	vadd.f32 v3, v59;
	(v2sf) =	vpush v6, $0x5  }
0x18b: {  	v2 =	vadd.f32 v2, v60;
	(v2sf) =	vpush v6, $0x6  }
0x18c: {  	s25 =	spop (v2sf);
	(v2sf) =	vpush v6, $0x7  }
0x18d: {  	[tilespmem:s14+$0xFFFFFF80] =	vst v2;
	s7 =	spop (v2sf);
	(v2sf) =	vpush v3, $0x0  }
0x18e: {  	v61 =	vld [tilespmem:s14+$0xFFFFFF88];
	s8 =	spop (v2sf);
	(v2sf) =	vpush v3, $0x1  }
0x18f: {  	s9 =	spop (v2sf);
	(v2sf) =	vpush v3, $0x2  }
0x190: {  	s11 =	spop (v2sf);
	(v2sf) =	vpush v3, $0x3  }
0x191: {  	s12 =	spop (v2sf);
	(v2sf) =	vpush v3, $0x4  }
0x192: {  	s13 =	spop (v2sf);
	(v2sf) =	vpush v3, $0x5  }
0x193: {  	v2 =	vadd.f32 v2, v61;
	s14 =	spop (v2sf);
	(v2sf) =	vpush v3, $0x6  }
0x194: {  	s15 =	spop (v2sf);
	(v2sf) =	vpush v3, $0x7  }
0x195: {  	s19 =	spop (v2sf);
	(v2sf) =	vpush v2, $0x0  }
0x196: {  	s24 =	spop (v2sf);
	(v2sf) =	vpush v2, $0x1  }
0x197: {  	s3 =	sadd.f32 s7, s25;
	s25 =	spop (v2sf)  }
0x198: {  	s15 =	sadd.f32 s19, s15;
	(v2sf) =	vpush v2, $0x2;
	s19 =	spop (v2sf)  }
0x199: {  	s3 =	sadd.f32 s3, s8;
	s8 =	spop (v2sf)  }
0x19a: {  	s15 =	sadd.f32 s15, s24;
	(v2sf) =	vpush v2, $0x3;
	s24 =	spop (v2sf)  }
0x19b: {  	s3 =	sadd.f32 s3, s9;
	s9 =	spop (v2sf)  }
0x19c: {  	s7 =	sadd.f32 s15, s25;
	(v2sf) =	vpush v2, $0x4;
	s15 =	spop (v2sf)  }
0x19d: {  	s3 =	sadd.f32 s3, s11;
	s25 =	spop (v2sf)  }
0x19e: {  	s7 =	sadd.f32 s7, s19;
	(v2sf) =	vpush v2, $0x5;
	s19 =	spop (v2sf)  }
0x19f: {  	s3 =	sadd.f32 s3, s12;
	s12 =	spop (v2sf)  }
0x1a0: {  	(v2sf) =	vpush v2, $0x6;
	s7 =	sadd.f32 s7, s8;
	s8 =	spop (v2sf)  }
0x1a1: {  	s3 =	sadd.f32 s3, s13;
	s13 =	spop (v2sf)  }
0x1a2: {  	(v2sf) =	vpush v2, $0x7;
	s7 =	sadd.f32 s7, s24;
	s24 =	spop (v2sf)  }
0x1a3: {  	s3 =	sadd.f32 s3, s14;
	s14 =	spop (v2sf)  }
0x1a4: {  	s7 =	sadd.f32 s7, s9;
	s9 =	spop (v2sf)  }
0x1a5: {  	s11 =	sadd.f32 s25, s15;
	s25 =	spop (v2sf)  }
0x1a6: {  	s9 =	sadd.f32 s25, s9  }
0x1a7: {  	s11 =	sadd.f32 s11, s19;
	s19 =	spop (v2sf)  }
0x1a8: {  	s9 =	sadd.f32 s9, s19  }
0x1a9: {  	s11 =	sadd.f32 s11, s12;
	s25 =	spop (v2sf)  }
0x1aa: {  	s9 =	sadd.f32 s9, s25  }
0x1ab: {  	s8 =	sadd.f32 s11, s8;
	s15 =	spop (v2sf)  }
0x1ac: {  	s9 =	sadd.f32 s9, s15  }
0x1ad: {  	s8 =	sadd.f32 s8, s13;
	s19 =	spop (v2sf)  }
0x1ae: {  	vm0 =	vmmov vm0;
	vm1 =	vmmov vm1;
	s9 =	sadd.f32 s9, s19  }
0x1af: {  	vm2 =	vmmov vm2;
	vm10 =	vmmov vm1;
	v3 =	vmov s22;
	s22 =	sadd.f32 s8, s24;
	s24 =	spop (v2sf)  }
0x1b0: {  	vm11 =	vmmov vm2;
	vm3 =	veq.s32 v3, v1;
	v62 =	vmov s3;
	s8 =	sadd.f32 s9, s24  }
0x1b1: {  	s0 =	sadd.s32 s0, s30;
	vm13 =	vmmov vm11;
	v3 =	vnsel vm3, $0x0, v62;
	v2 =	vmov s10;
	s3 =	sadd.f32 s22, s14;
	s25 =	spop (v2sf)  }
0x1b2: {  	vm12 =	vmmov vm3;
	[tilespmem:s0+$0x0] =	vst.add.f32.msk $0xffff, v3;
	v2 =	vnsel vm0, $0x0, v2;
	v63 =	vmov s7;
	s30 =	sadd.f32 s8, s25  }
0x1b3: {  	vm14 =	vmmov vm12;
	[tilespmem:s31+$0x0] =	vst.add.f32.msk $0xffff, v2;
	v3 =	vnsel vm10, $0x0, v63;
	v2 =	vmov s3;
	s3 =	sshll.u32 @!p1 s28, $0x7  }
0x1b4: {  	vm15 =	vmmov vm14;
	[tilespmem:s20+$0x0] =	vst.add.f32.msk $0xffff, v3;
	v2 =	vnsel vm13, $0x0, v2;
	s0 =	sadd.s32 @!p1 s6, s3;
	v3 =	vmov s30  }
0x1b5: {  	[tilespmem:s18+$0x0] =	vst.add.f32.msk $0xffff, v2;
	s0 =	sshrl.u32 @!p1 s0, $0x3;
	v2 =	vnsel vm15, $0x0, v3  }
0x1b6: {  	s7 =	simm.s32 @!p1 $0x1C600;
	s3 =	simm.s32 @!p1 $0x0;
	s0 =	sadd.s32 @!p1 s4, s0;
	[tilespmem:s21+$0x0] =	vst.add.f32.msk $0xffff, v2  }
0x1b7: {  	[hbm4b:s0+s3] =	stream.linear.scatter @!p1 [tilespmem:s7], [sflag:$0x3], $0x80, $0x38;
	[tilespmem:$0x1C700] =	vst v63  }
0x1b8: {  	s0 =	sshll.u32 @p0 s28, $0x7  }
0x1b9: {  	s0 =	sadd.s32 @p0 s6, s0  }
0x1ba: {  	s0 =	sshrl.u32 @p0 s0, $0x3  }
0x1bb: {  	s3 =	simm.s32 @p0 $0x0;
	s7 =	simm.s32 @p0 $0x1C680;
	s0 =	sadd.s32 @p0 s4, s0  }
0x1bc: {  	[hbm4b:s0+s3] =	stream.linear.scatter @p0 [tilespmem:s7], [sflag:$0x4], $0x80, $0x38;
	[tilespmem:$0x1C700] =	vst v63  }
0x1bd: {  	p0 =	sne.s32 s29, $0x4  }
.Ltmp1:
0x1be: {  	_ = 	snop;
	(pc) =	sbr.rel @p0 .LBB2_2-.Ltmp1, $2  }
0x1bf: {  	_ =	sdelay $0x2  }
0x1c0: {  	s28 =	smov.u32 s29  }
0x1c1: {  	s0 =	simm.s32 $0x3  }
0x1c2: {  	_ =	swait.ge [sflag:s0], $0x80  }
0x1c3: {  	[sflag:s0] =	ssyncset.done $0x0  }
0x1c4: {  	s3 =	simm.s32 $0x4;
	[sflag:s0] =	ssyncadd.s32 $0xFFFFFF80  }
0x1c5: {  	_ =	swait.ge [sflag:s3], $0x80  }
0x1c6: {  	s26 =	sadd.s32 $0x1, s26;
	s31 =	rddreg [dreg:$0xd]  }
0x1c7: {  	p0 =	sne.s32 s26, s31  }
.Ltmp2:
0x1c8: {  	_ = 	snop;
	(pc) =	sbr.rel @p0 .LBB2_1-.Ltmp2, $3  }
0x1c9: {  	_ =	sdelay $0x1  }
0x1ca: {  	[sflag:s3] =	ssyncset.done $0x0  }
0x1cb: {  	[sflag:s3] =	ssyncadd.s32 $0xFFFFFF80  }
0x1cc: {  	_ =	sfence.sel $0x180000  }
0x1cd: {  	[bflag:$0x0] =	sbarrier.arrive $0xFFFF  }
0x1ce: {  	_ =	strace $0x90000047  }
0x1cf: {  	s0 =	stileid.u32;
	[bflag:$0x2] =	sbarrier.arrive $0xFFFF  }
0x1d0: {  	p0 =	sne.s32 s0, $0x0;
	s0 =	rddreg [dreg:$0x6]  }
0x1d1: {  	s0 =	sadd.s32 @!p0 $0x100000, s0  }
0x1d2: {  	[sflag:s0] =	ssyncadd.tile.s32 @!p0 $0x1;
	_ =	shalt  }
.Lfunc_end2:
_tile_overlayer_lowered:
.L_overlay_start_2:
0x1d3: {  	(tag) =	ssettag $0x2  }
0x1d4: {  	s0 =	rddreg [dreg:$0x0];
	s2 =	stileid.u32  }
0x1d5: {  	s1 =	rddreg [dreg:$0x1];
	p0 =	sne.s32 s2, $0x0  }
0x1d6: {  	s3 =	rddreg [dreg:$0x2];
	[bflag:$0x3] =	sbarrier.arrive $0xFFFF;
	s2 =	simm.s32 @!p0 $0x1C05  }
0x1d7: {  	[timem:s3], [sflag:s2] =	dma.local @!p0 [hbm:s0], s1  }
0x1d8: {  	s0 =	simm.s32 @!p0 $0x5  }
0x1d9: {  	_ =	swait.ge @!p0 [sflag:s0], s1  }
0x1da: {  	s1 =	ssub.s32 @!p0 $0x0, s1;
	[sflag:s0] =	ssyncset.done @!p0 $0x0  }
0x1db: {  	[sflag:s0] =	ssyncadd.s32 @!p0 s1  }
0x1dc: {  	[bflag:$0x3] =	sbarrier.arrive $0xFFFF  }
0x1dd: {  	_ =	shalt  }

</sc_bundles>
